<compile_context>
chip_gen: v7x
topology: tpu7x:2x2x1
jax: 0.10.2.dev20260603
libtpu: 0.0.44.dev20260713+nightly
codegen_flags: <defaults>
</compile_context>

<pallas_src>
import jax
import jax.numpy as jnp
from jax import lax
from jax.experimental import pallas as pl
from jax.experimental.pallas import tpu as pltpu
from jax.experimental.pallas import tpu_sc as plsc

_R = 524288
_NP = 32768
_B = 262144
_W = 16
_HP = _NP
_NTILES = 32
_CHUNK_R = _R // _NTILES
_CHUNK_B = _B // _NTILES
_KIDX = 128
_NSTREAM = _CHUNK_R // _KIDX
_SEG = 257 * 128

_i32 = jnp.int32

_SC_PARAMS = pltpu.CompilerParams(needs_layout_passes=False)


_NBUF = 16


def _hist_body(preds_hbm, zeros_hbm, ones_hbm, out_hbm, idx_v, ones_v, hist_sh,
               sem):
    c = lax.axis_index("c")
    s = lax.axis_index("s")
    w = s * 2 + c

    @pl.when(s == 0)
    def _():
        pltpu.sync_copy(zeros_hbm, hist_sh)

    pltpu.sync_copy(preds_hbm.at[w], idx_v)
    pltpu.sync_copy(ones_hbm, ones_v)
    plsc.subcore_barrier()

    def body(j, carry):
        pltpu.async_copy(ones_v, hist_sh.at[idx_v.at[j]], sem, add=True)

        @pl.when(j >= _NBUF)
        def _():
            pltpu.make_async_copy(ones_v, hist_sh.at[idx_v.at[j]], sem).wait()

        return carry

    lax.fori_loop(0, _NSTREAM, body, 0)
    for _ in range(_NBUF):
        pltpu.make_async_copy(ones_v, hist_sh.at[idx_v.at[0]], sem).wait()
    plsc.subcore_barrier()

    @pl.when(s == 0)
    def _():
        pltpu.sync_copy(hist_sh, out_hbm.at[c])


def _hist_call(preds, zeros, ones):
    fn = pl.kernel(
        _hist_body,
        out_type=jax.ShapeDtypeStruct((2, _HP), _i32),
        mesh=plsc.VectorSubcoreMesh(core_axis_name="c", subcore_axis_name="s"),
        scratch_types=[
            pltpu.VMEM((_KIDX, _KIDX), _i32),
            pltpu.VMEM((_KIDX,), _i32),
            pltpu.VMEM_SHARED((_HP,), _i32),
            pltpu.SemaphoreType.DMA,
        ],
        compiler_params=_SC_PARAMS,
    )
    return fn(preds, zeros, ones)


def _scan_body(h_ref, seg_ref):
    h = h_ref[...]
    cnt = h[0] + h[1]
    x = cnt
    for k in (1, 2, 4, 8, 16, 32, 64):
        x = x + jnp.concatenate(
            [jnp.zeros((256, k), _i32), x[:, :-k]], axis=1)
    excl = jnp.concatenate(
        [jnp.zeros((256, 1), _i32), x[:, :-1]], axis=1)
    t = x[:, 127:128]
    for k in (1, 2, 4, 8, 16, 32, 64, 128):
        t = t + jnp.concatenate(
            [jnp.zeros((k, 1), _i32), t[:-k, :]], axis=0)
    rowpref = jnp.concatenate(
        [jnp.zeros((1, 1), _i32), t[:-1, :]], axis=0)
    seg = excl + rowpref
    total = t[255:256, :]
    last = jnp.broadcast_to(total, (1, 128))
    seg_ref[...] = jnp.concatenate([seg, last], axis=0)


def _scan_call(part):
    return pl.pallas_call(
        _scan_body,
        out_shape=jax.ShapeDtypeStruct((257, 128), _i32),
    )(part)


def _gather_body(seg_hbm, qp_hbm, starts_hbm, lens_hbm, seg_v, q_v, s_v, l_v,
                 sem):
    c = lax.axis_index("c")
    s = lax.axis_index("s")
    w = s * 2 + c
    seg_cp = pltpu.async_copy(seg_hbm, seg_v, sem)
    qp_cp = pltpu.async_copy(qp_hbm.at[w], q_v, sem)
    seg_cp.wait()
    qp_cp.wait()

    def body(i, carry):
        qp = jnp.clip(q_v[pl.ds(i * 16, 16)], 0, _NP)
        st = plsc.load_gather(seg_v, [qp])
        en = plsc.load_gather(seg_v, [qp + 1])
        s_v[pl.ds(i * 16, 16)] = st
        l_v[pl.ds(i * 16, 16)] = en - st
        return carry

    lax.fori_loop(0, _CHUNK_B // 16, body, 0)
    pltpu.sync_copy(s_v, starts_hbm.at[w])
    pltpu.sync_copy(l_v, lens_hbm.at[w])


def _gather_call(seg, qp2):
    fn = pl.kernel(
        _gather_body,
        out_type=(
            jax.ShapeDtypeStruct((_NTILES, _CHUNK_B), _i32),
            jax.ShapeDtypeStruct((_NTILES, _CHUNK_B), _i32),
        ),
        mesh=plsc.VectorSubcoreMesh(core_axis_name="c", subcore_axis_name="s"),
        scratch_types=[
            pltpu.VMEM((_SEG,), _i32),
            pltpu.VMEM((_CHUNK_B,), _i32),
            pltpu.VMEM((_CHUNK_B,), _i32),
            pltpu.VMEM((_CHUNK_B,), _i32),
            pltpu.SemaphoreType.DMA,
        ],
        compiler_params=_SC_PARAMS,
    )
    return fn(seg, qp2)


_BQ = 32768


def _expand_body(mp_ref, s_ref, l_ref, item_ref, valid_ref, qidx_ref):
    i = pl.program_id(0)
    s = s_ref[...]
    ln = jnp.minimum(l_ref[...], mp_ref[0, 0])
    row = lax.broadcasted_iota(_i32, (_W, _BQ), 0)
    item_ref[...] = s[None, :] + row
    valid_ref[...] = (row < ln[None, :]).astype(jnp.int8)
    qidx_ref[...] = i * _BQ + lax.broadcasted_iota(_i32, (_W, _BQ), 1)


def _expand_call(mp, starts, lens):
    return pl.pallas_call(
        _expand_body,
        grid=(_B // _BQ,),
        in_specs=[
            pl.BlockSpec(memory_space=pltpu.SMEM),
            pl.BlockSpec((_BQ,), lambda i: (i,)),
            pl.BlockSpec((_BQ,), lambda i: (i,)),
        ],
        out_specs=[
            pl.BlockSpec((_W, _BQ), lambda i: (0, i)),
            pl.BlockSpec((_W, _BQ), lambda i: (0, i)),
            pl.BlockSpec((_W, _BQ), lambda i: (0, i)),
        ],
        out_shape=[
            jax.ShapeDtypeStruct((_W, _B), _i32),
            jax.ShapeDtypeStruct((_W, _B), jnp.int8),
            jax.ShapeDtypeStruct((_W, _B), _i32),
        ],
    )(mp, starts, lens)


def kernel(rules_heads_idx, rules_bodies_idx, rule_lens, query_preds, max_pairs):
    preds = rules_heads_idx[:, 0].reshape(_NTILES, _KIDX, _KIDX)
    zeros = jnp.zeros((_HP,), _i32)
    ones = jnp.ones((_KIDX,), _i32)
    part = _hist_call(preds, zeros, ones)
    seg = _scan_call(part.reshape(2, 256, 128))
    qp2 = query_preds.reshape(_NTILES, _CHUNK_B)
    starts, lens = _gather_call(seg.reshape(_SEG), qp2)
    mp = jnp.asarray(max_pairs, _i32).reshape(1, 1)
    item_t, valid_t, qidx_t = _expand_call(
        mp, starts.reshape(_B), lens.reshape(_B))
    return (item_t.T, valid_t.astype(jnp.bool_).T, qidx_t.T)

# --- scband reference (transcript-rebuilt; emitter-appended) ---
"""Pipeline reference for scband-rule-index-enum-70866960384786 (READ-ONLY COPY).

The authoritative reference and input builder live on the scoring server;
editing this copy changes nothing except your own understanding.
"""

import jax, jax.numpy as jnp
import numpy as np

R = 524288
PRED_NO = 32768  # predicate_no init kwarg
B = 262144
MAX_PAIRS = 16


def setup_inputs(seed: int = 0) -> dict:
    key = jax.random.key(seed)
    k1, k2, k3, k4 = jax.random.split(key, 4)
    rules_heads_idx = jax.random.randint(k1, (R, 3), 0, PRED_NO)
    rules_bodies_idx = jax.random.randint(k2, (R, 4, 3), 0, PRED_NO)
    rule_lens = jax.random.randint(k3, (R,), 0, 4)
    query_preds = jax.random.randint(k4, (B,), 0, PRED_NO)
    return {
        "rules_heads_idx": rules_heads_idx,
        "rules_bodies_idx": rules_bodies_idx,
        "rule_lens": rule_lens,
        "query_preds": query_preds,
        "max_pairs": MAX_PAIRS,
    }


def reference(rules_heads_idx, rules_bodies_idx, rule_lens, query_preds, max_pairs):
    # --- __init__: stable sort rules by head predicate ---
    preds_unsorted = rules_heads_idx[:, 0]
    sort_perm = jnp.argsort(preds_unsorted)  # jax argsort is stable
    heads = jnp.take(rules_heads_idx, sort_perm, axis=0)
    bodies = jnp.take(rules_bodies_idx, sort_perm, axis=0)
    rules_idx_sorted = sort_perm
    lens_sorted = jnp.take(rule_lens, sort_perm, axis=0)
    preds = heads[:, 0]
    # seg_offsets: equivalent to unique_consecutive counts scattered + cummax
    # (all preds < num_pred here, so cumsum of bincount is exactly equivalent)
    num_pred = PRED_NO + 1
    counts = jnp.bincount(preds, length=num_pred)
    seg_offsets = jnp.concatenate([jnp.zeros((1,), dtype=counts.dtype), jnp.cumsum(counts)])
    # --- lookup(query_preds, max_pairs) ---
    qp = jnp.clip(query_preds, 0, seg_offsets.shape[0] - 2)
    starts = jnp.take(seg_offsets, qp)
    lens = jnp.minimum(jnp.take(seg_offsets, qp + 1) - starts, max_pairs)
    offsets = jnp.arange(MAX_PAIRS)[None, :]
    item_idx = starts[:, None] + offsets
    valid_mask = offsets < lens[:, None]
    query_idx = jnp.broadcast_to(jnp.arange(qp.shape[0])[:, None], (qp.shape[0], MAX_PAIRS))
    return (item_idx, valid_mask, query_idx)

if __name__ == "__main__":
    import jax
    _d = setup_inputs()
    print(jax.jit(kernel)(*tuple(_d.values())))

</pallas_src>

<mosaic_0001>
#map = affine_map<(d0, d1) -> (0)>
#map1 = affine_map<(d0, d1) -> (0, 0)>
module attributes {stable_mosaic.version = 14 : i64} {
  func.func @_gather_body(%arg0: i32, %arg1: i32, %arg2: memref<32896xi32, #tpu.memory_space<hbm>>, %arg3: memref<32x8192xi32, #tpu.memory_space<hbm>>, %arg4: memref<32x8192xi32, #tpu.memory_space<hbm>>, %arg5: memref<32x8192xi32, #tpu.memory_space<hbm>>, %arg6: memref<32896xi32, #tpu.memory_space<vmem>>, %arg7: memref<8192xi32, #tpu.memory_space<vmem>>, %arg8: memref<8192xi32, #tpu.memory_space<vmem>>, %arg9: memref<8192xi32, #tpu.memory_space<vmem>>, %arg10: memref<!tpu.dma_semaphore, #tpu.memory_space<semaphore_mem>>) attributes {dimension_semantics = [#tpu.dimension_semantics<core_parallel>, #tpu.dimension_semantics<subcore_parallel>], iteration_bounds = array<i64: 2, 16>, scalar_prefetch = 0 : i64, scratch_operands = 5 : i64, tpu.core_type = #tpu.core_type<sc_vector_subcore>, window_params = [{transform_indices = #map}, {transform_indices = #map1}, {transform_indices = #map1}, {transform_indices = #map1}]} {
    %mul3A = arith.constant 2 : i32
    %mul3A_0 = arith.muli %arg1, %mul3A : i32
    %add3A = arith.addi %mul3A_0, %arg0 : i32
    tpu.enqueue_dma source(%arg2 : memref<32896xi32, #tpu.memory_space<hbm>>) target(%arg6 : memref<32896xi32, #tpu.memory_space<vmem>>) target_semaphore(%arg10 : memref<!tpu.dma_semaphore, #tpu.memory_space<semaphore_mem>>)
    %dma_start3A = arith.constant 0 : i32
    %dma_start3A_1 = tpu.memref_slice %arg3[%add3A, %dma_start3A] : memref<32x8192xi32, #tpu.memory_space<hbm>> -> memref<1x8192xi32, #tpu.memory_space<hbm>>
    %dma_start3A_2 = tpu.memref_squeeze %dma_start3A_1 : memref<1x8192xi32, #tpu.memory_space<hbm>> -> memref<8192xi32, #tpu.memory_space<hbm>>
    %dma_start3A_3 = arith.constant 0 : i32
    %dma_start3A_4 = tpu.memref_slice %arg3[%add3A, %dma_start3A_3] : memref<32x8192xi32, #tpu.memory_space<hbm>> -> memref<1x8192xi32, #tpu.memory_space<hbm>>
    %dma_start3A_5 = tpu.memref_squeeze %dma_start3A_4 : memref<1x8192xi32, #tpu.memory_space<hbm>> -> memref<8192xi32, #tpu.memory_space<hbm>>
    tpu.enqueue_dma source(%dma_start3A_5 : memref<8192xi32, #tpu.memory_space<hbm>>) target(%arg7 : memref<8192xi32, #tpu.memory_space<vmem>>) target_semaphore(%arg10 : memref<!tpu.dma_semaphore, #tpu.memory_space<semaphore_mem>>)
    tpu.wait_dma2 semaphore(%arg10 : memref<!tpu.dma_semaphore, #tpu.memory_space<semaphore_mem>>) src(%arg2 : memref<32896xi32, #tpu.memory_space<hbm>>) dst(%arg6 : memref<32896xi32, #tpu.memory_space<vmem>>)
    %dma_wait3A = arith.constant 0 : i32
    %dma_wait3A_6 = tpu.memref_slice %arg3[%add3A, %dma_wait3A] : memref<32x8192xi32, #tpu.memory_space<hbm>> -> memref<1x8192xi32, #tpu.memory_space<hbm>>
    %dma_wait3A_7 = tpu.memref_squeeze %dma_wait3A_6 : memref<1x8192xi32, #tpu.memory_space<hbm>> -> memref<8192xi32, #tpu.memory_space<hbm>>
    %dma_wait3A_8 = arith.constant 0 : i32
    %dma_wait3A_9 = tpu.memref_slice %arg3[%add3A, %dma_wait3A_8] : memref<32x8192xi32, #tpu.memory_space<hbm>> -> memref<1x8192xi32, #tpu.memory_space<hbm>>
    %dma_wait3A_10 = tpu.memref_squeeze %dma_wait3A_9 : memref<1x8192xi32, #tpu.memory_space<hbm>> -> memref<8192xi32, #tpu.memory_space<hbm>>
    tpu.wait_dma2 semaphore(%arg10 : memref<!tpu.dma_semaphore, #tpu.memory_space<semaphore_mem>>) src(%dma_wait3A_10 : memref<8192xi32, #tpu.memory_space<hbm>>) dst(%arg7 : memref<8192xi32, #tpu.memory_space<vmem>>)
    %scan3A = arith.constant 0 : i32
    %scan3A_11 = arith.constant 0 : i32
    %scan3A_12 = arith.constant 512 : i32
    %scan3A_13 = arith.addi %scan3A_11, %scan3A_12 : i32
    %scan3A_14 = arith.constant 1 : i32
    scf.for %scan3A_16 = %scan3A_11 to %scan3A_13 step %scan3A_14  : i32 {
      %mul3A_17 = arith.constant 16 : i32
      %mul3A_18 = arith.muli %scan3A_16, %mul3A_17 : i32
      %get3A = arith.index_cast %mul3A_18 : i32 to index
      %get3A_19 = tpu.vector_load %arg7[%get3A] {strides = array<i32>} : memref<8192xi32, #tpu.memory_space<vmem>>, vector<16xi32>,
      %jit3A = arith.constant 0 : i32
      %jit3A_20 = arith.constant 32768 : i32
      %max3A = vector.broadcast %jit3A : i32 to vector<16xi32>
      %max3A_21 = arith.maxsi %max3A, %get3A_19 : vector<16xi32>
      %min3A = vector.broadcast %jit3A_20 : i32 to vector<16xi32>
      %min3A_22 = arith.minsi %min3A, %max3A_21 : vector<16xi32>
      %gather3A = tpu.vector_load_idx %arg6[%min3A_22] : memref<32896xi32, #tpu.memory_space<vmem>>[vector<16xi32>], vector<16xi32>,
      %add3A_23 = arith.constant 1 : i32
      %add3A_24 = vector.broadcast %add3A_23 : i32 to vector<16xi32>
      %add3A_25 = arith.addi %min3A_22, %add3A_24 : vector<16xi32>
      %gather3A_26 = tpu.vector_load_idx %arg6[%add3A_25] : memref<32896xi32, #tpu.memory_space<vmem>>[vector<16xi32>], vector<16xi32>,
      %mul3A_27 = arith.constant 16 : i32
      %mul3A_28 = arith.muli %scan3A_16, %mul3A_27 : i32
      %swap3A = arith.index_cast %mul3A_28 : i32 to index
      %swap3A_29 = tpu.vector_load %arg8[%swap3A] {strides = array<i32>} : memref<8192xi32, #tpu.memory_space<vmem>>, vector<16xi32>,
      tpu.vector_store %arg8[%swap3A], %gather3A {strides = array<i32>} : memref<8192xi32, #tpu.memory_space<vmem>>, vector<16xi32>,
      %sub3A = arith.subi %gather3A_26, %gather3A : vector<16xi32>
      %mul3A_30 = arith.constant 16 : i32
      %mul3A_31 = arith.muli %scan3A_16, %mul3A_30 : i32
      %swap3A_32 = arith.index_cast %mul3A_31 : i32 to index
      %swap3A_33 = tpu.vector_load %arg9[%swap3A_32] {strides = array<i32>} : memref<8192xi32, #tpu.memory_space<vmem>>, vector<16xi32>,
      tpu.vector_store %arg9[%swap3A_32], %sub3A {strides = array<i32>} : memref<8192xi32, #tpu.memory_space<vmem>>, vector<16xi32>,
    }
    %scan3A_15 = arith.constant 512 : i32
    "tpu.region"() ({
      %run_scoped3A = tpu.sem_alloc : memref<!tpu.dma_semaphore, #tpu.memory_space<semaphore_mem>>
      %dma_start3A_16 = arith.constant 0 : i32
      %dma_start3A_17 = tpu.memref_slice %arg4[%add3A, %dma_start3A_16] : memref<32x8192xi32, #tpu.memory_space<hbm>> -> memref<1x8192xi32, #tpu.memory_space<hbm>>
      %dma_start3A_18 = tpu.memref_squeeze %dma_start3A_17 : memref<1x8192xi32, #tpu.memory_space<hbm>> -> memref<8192xi32, #tpu.memory_space<hbm>>
      %dma_start3A_19 = arith.constant 0 : i32
      %dma_start3A_20 = tpu.memref_slice %arg4[%add3A, %dma_start3A_19] : memref<32x8192xi32, #tpu.memory_space<hbm>> -> memref<1x8192xi32, #tpu.memory_space<hbm>>
      %dma_start3A_21 = tpu.memref_squeeze %dma_start3A_20 : memref<1x8192xi32, #tpu.memory_space<hbm>> -> memref<8192xi32, #tpu.memory_space<hbm>>
      tpu.enqueue_dma source(%arg8 : memref<8192xi32, #tpu.memory_space<vmem>>) target(%dma_start3A_21 : memref<8192xi32, #tpu.memory_space<hbm>>) target_semaphore(%run_scoped3A : memref<!tpu.dma_semaphore, #tpu.memory_space<semaphore_mem>>)
      %dma_wait3A_22 = arith.constant 0 : i32
      %dma_wait3A_23 = tpu.memref_slice %arg4[%add3A, %dma_wait3A_22] : memref<32x8192xi32, #tpu.memory_space<hbm>> -> memref<1x8192xi32, #tpu.memory_space<hbm>>
      %dma_wait3A_24 = tpu.memref_squeeze %dma_wait3A_23 : memref<1x8192xi32, #tpu.memory_space<hbm>> -> memref<8192xi32, #tpu.memory_space<hbm>>
      %dma_wait3A_25 = arith.constant 0 : i32
      %dma_wait3A_26 = tpu.memref_slice %arg4[%add3A, %dma_wait3A_25] : memref<32x8192xi32, #tpu.memory_space<hbm>> -> memref<1x8192xi32, #tpu.memory_space<hbm>>
      %dma_wait3A_27 = tpu.memref_squeeze %dma_wait3A_26 : memref<1x8192xi32, #tpu.memory_space<hbm>> -> memref<8192xi32, #tpu.memory_space<hbm>>
      tpu.wait_dma2 semaphore(%run_scoped3A : memref<!tpu.dma_semaphore, #tpu.memory_space<semaphore_mem>>) src(%arg8 : memref<8192xi32, #tpu.memory_space<vmem>>) dst(%dma_wait3A_27 : memref<8192xi32, #tpu.memory_space<hbm>>)
      tpu.yield
    }) : () -> ()
    "tpu.region"() ({
      %run_scoped3A = tpu.sem_alloc : memref<!tpu.dma_semaphore, #tpu.memory_space<semaphore_mem>>
      %dma_start3A_16 = arith.constant 0 : i32
      %dma_start3A_17 = tpu.memref_slice %arg5[%add3A, %dma_start3A_16] : memref<32x8192xi32, #tpu.memory_space<hbm>> -> memref<1x8192xi32, #tpu.memory_space<hbm>>
      %dma_start3A_18 = tpu.memref_squeeze %dma_start3A_17 : memref<1x8192xi32, #tpu.memory_space<hbm>> -> memref<8192xi32, #tpu.memory_space<hbm>>
      %dma_start3A_19 = arith.constant 0 : i32
      %dma_start3A_20 = tpu.memref_slice %arg5[%add3A, %dma_start3A_19] : memref<32x8192xi32, #tpu.memory_space<hbm>> -> memref<1x8192xi32, #tpu.memory_space<hbm>>
      %dma_start3A_21 = tpu.memref_squeeze %dma_start3A_20 : memref<1x8192xi32, #tpu.memory_space<hbm>> -> memref<8192xi32, #tpu.memory_space<hbm>>
      tpu.enqueue_dma source(%arg9 : memref<8192xi32, #tpu.memory_space<vmem>>) target(%dma_start3A_21 : memref<8192xi32, #tpu.memory_space<hbm>>) target_semaphore(%run_scoped3A : memref<!tpu.dma_semaphore, #tpu.memory_space<semaphore_mem>>)
      %dma_wait3A_22 = arith.constant 0 : i32
      %dma_wait3A_23 = tpu.memref_slice %arg5[%add3A, %dma_wait3A_22] : memref<32x8192xi32, #tpu.memory_space<hbm>> -> memref<1x8192xi32, #tpu.memory_space<hbm>>
      %dma_wait3A_24 = tpu.memref_squeeze %dma_wait3A_23 : memref<1x8192xi32, #tpu.memory_space<hbm>> -> memref<8192xi32, #tpu.memory_space<hbm>>
      %dma_wait3A_25 = arith.constant 0 : i32
      %dma_wait3A_26 = tpu.memref_slice %arg5[%add3A, %dma_wait3A_25] : memref<32x8192xi32, #tpu.memory_space<hbm>> -> memref<1x8192xi32, #tpu.memory_space<hbm>>
      %dma_wait3A_27 = tpu.memref_squeeze %dma_wait3A_26 : memref<1x8192xi32, #tpu.memory_space<hbm>> -> memref<8192xi32, #tpu.memory_space<hbm>>
      tpu.wait_dma2 semaphore(%run_scoped3A : memref<!tpu.dma_semaphore, #tpu.memory_space<semaphore_mem>>) src(%arg9 : memref<8192xi32, #tpu.memory_space<vmem>>) dst(%dma_wait3A_27 : memref<8192xi32, #tpu.memory_space<hbm>>)
      tpu.yield
    }) : () -> ()
    return
  }
}

#map = affine_map<(d0, d1) -> (0, 0, 0)>
#map1 = affine_map<(d0, d1) -> (0)>
#map2 = affine_map<(d0, d1) -> (0, 0)>
module attributes {stable_mosaic.version = 14 : i64} {
  func.func @_hist_body(%arg0: i32, %arg1: i32, %arg2: memref<32x128x128xi32, #tpu.memory_space<hbm>>, %arg3: memref<32768xi32, #tpu.memory_space<hbm>>, %arg4: memref<128xi32, #tpu.memory_space<hbm>>, %arg5: memref<2x32768xi32, #tpu.memory_space<hbm>>, %arg6: memref<128x128xi32, #tpu.memory_space<vmem>>, %arg7: memref<128xi32, #tpu.memory_space<vmem>>, %arg8: memref<32768xi32, #tpu.memory_space<vmem_shared>>, %arg9: memref<!tpu.dma_semaphore, #tpu.memory_space<semaphore_mem>>) attributes {dimension_semantics = [#tpu.dimension_semantics<core_parallel>, #tpu.dimension_semantics<subcore_parallel>], iteration_bounds = array<i64: 2, 16>, scalar_prefetch = 0 : i64, scratch_operands = 4 : i64, tpu.core_type = #tpu.core_type<sc_vector_subcore>, window_params = [{transform_indices = #map}, {transform_indices = #map1}, {transform_indices = #map1}, {transform_indices = #map2}]} {
    %mul3A = arith.constant 2 : i32
    %mul3A_0 = arith.muli %arg1, %mul3A : i32
    %add3A = arith.addi %mul3A_0, %arg0 : i32
    %eq3A = arith.constant 0 : i32
    %eq3A_1 = arith.cmpi eq, %arg1, %eq3A : i32
    %convert_element_type3A = arith.extui %eq3A_1 : i1 to i32
    %cond3A = arith.constant 0 : i32
    %cond3A_2 = arith.cmpi ne, %convert_element_type3A, %cond3A : i32
    scf.if %cond3A_2 {
      "tpu.region"() ({
        %run_scoped3A = tpu.sem_alloc : memref<!tpu.dma_semaphore, #tpu.memory_space<semaphore_mem>>
        tpu.enqueue_dma source(%arg3 : memref<32768xi32, #tpu.memory_space<hbm>>) target(%arg8 : memref<32768xi32, #tpu.memory_space<vmem_shared>>) target_semaphore(%run_scoped3A : memref<!tpu.dma_semaphore, #tpu.memory_space<semaphore_mem>>)
        tpu.wait_dma2 semaphore(%run_scoped3A : memref<!tpu.dma_semaphore, #tpu.memory_space<semaphore_mem>>) src(%arg3 : memref<32768xi32, #tpu.memory_space<hbm>>) dst(%arg8 : memref<32768xi32, #tpu.memory_space<vmem_shared>>)
        tpu.yield
      }) : () -> ()
    } else {
    }
    "tpu.region"() ({
      %run_scoped3A = tpu.sem_alloc : memref<!tpu.dma_semaphore, #tpu.memory_space<semaphore_mem>>
      %dma_start3A = arith.constant 0 : i32
      %dma_start3A_109 = arith.constant 0 : i32
      %dma_start3A_110 = tpu.memref_slice %arg2[%add3A, %dma_start3A, %dma_start3A_109] : memref<32x128x128xi32, #tpu.memory_space<hbm>> -> memref<1x128x128xi32, #tpu.memory_space<hbm>>
      %dma_start3A_111 = tpu.memref_squeeze %dma_start3A_110 : memref<1x128x128xi32, #tpu.memory_space<hbm>> -> memref<128x128xi32, #tpu.memory_space<hbm>>
      %dma_start3A_112 = arith.constant 0 : i32
      %dma_start3A_113 = arith.constant 0 : i32
      %dma_start3A_114 = tpu.memref_slice %arg2[%add3A, %dma_start3A_112, %dma_start3A_113] : memref<32x128x128xi32, #tpu.memory_space<hbm>> -> memref<1x128x128xi32, #tpu.memory_space<hbm>>
      %dma_start3A_115 = tpu.memref_squeeze %dma_start3A_114 : memref<1x128x128xi32, #tpu.memory_space<hbm>> -> memref<128x128xi32, #tpu.memory_space<hbm>>
      tpu.enqueue_dma source(%dma_start3A_115 : memref<128x128xi32, #tpu.memory_space<hbm>>) target(%arg6 : memref<128x128xi32, #tpu.memory_space<vmem>>) target_semaphore(%run_scoped3A : memref<!tpu.dma_semaphore, #tpu.memory_space<semaphore_mem>>)
      %dma_wait3A_116 = arith.constant 0 : i32
      %dma_wait3A_117 = arith.constant 0 : i32
      %dma_wait3A_118 = tpu.memref_slice %arg2[%add3A, %dma_wait3A_116, %dma_wait3A_117] : memref<32x128x128xi32, #tpu.memory_space<hbm>> -> memref<1x128x128xi32, #tpu.memory_space<hbm>>
      %dma_wait3A_119 = tpu.memref_squeeze %dma_wait3A_118 : memref<1x128x128xi32, #tpu.memory_space<hbm>> -> memref<128x128xi32, #tpu.memory_space<hbm>>
      %dma_wait3A_120 = arith.constant 0 : i32
      %dma_wait3A_121 = arith.constant 0 : i32
      %dma_wait3A_122 = tpu.memref_slice %arg2[%add3A, %dma_wait3A_120, %dma_wait3A_121] : memref<32x128x128xi32, #tpu.memory_space<hbm>> -> memref<1x128x128xi32, #tpu.memory_space<hbm>>
      %dma_wait3A_123 = tpu.memref_squeeze %dma_wait3A_122 : memref<1x128x128xi32, #tpu.memory_space<hbm>> -> memref<128x128xi32, #tpu.memory_space<hbm>>
      tpu.wait_dma2 semaphore(%run_scoped3A : memref<!tpu.dma_semaphore, #tpu.memory_space<semaphore_mem>>) src(%dma_wait3A_123 : memref<128x128xi32, #tpu.memory_space<hbm>>) dst(%arg6 : memref<128x128xi32, #tpu.memory_space<vmem>>)
      tpu.yield
    }) : () -> ()
    "tpu.region"() ({
      %run_scoped3A = tpu.sem_alloc : memref<!tpu.dma_semaphore, #tpu.memory_space<semaphore_mem>>
      tpu.enqueue_dma source(%arg4 : memref<128xi32, #tpu.memory_space<hbm>>) target(%arg7 : memref<128xi32, #tpu.memory_space<vmem>>) target_semaphore(%run_scoped3A : memref<!tpu.dma_semaphore, #tpu.memory_space<semaphore_mem>>)
      tpu.wait_dma2 semaphore(%run_scoped3A : memref<!tpu.dma_semaphore, #tpu.memory_space<semaphore_mem>>) src(%arg4 : memref<128xi32, #tpu.memory_space<hbm>>) dst(%arg7 : memref<128xi32, #tpu.memory_space<vmem>>)
      tpu.yield
    }) : () -> ()
    %barrier3A = arith.constant 0 : index
    tpu.barrier barrier_id(%barrier3A)
    %scan3A = arith.constant 0 : i32
    %scan3A_3 = arith.constant 0 : i32
    %scan3A_4 = arith.constant 128 : i32
    %scan3A_5 = arith.addi %scan3A_3, %scan3A_4 : i32
    %scan3A_6 = arith.constant 1 : i32
    scf.for %scan3A_109 = %scan3A_3 to %scan3A_5 step %scan3A_6  : i32 {
      %dma_start3A = arith.constant 0 : i32
      %dma_start3A_110 = tpu.memref_slice %arg6[%scan3A_109, %dma_start3A] : memref<128x128xi32, #tpu.memory_space<vmem>> -> memref<1x128xi32, #tpu.memory_space<vmem>>
      %dma_start3A_111 = tpu.memref_squeeze %dma_start3A_110 : memref<1x128xi32, #tpu.memory_space<vmem>> -> memref<128xi32, #tpu.memory_space<vmem>>
      %dma_start3A_112 = arith.constant 0 : i32
      %dma_start3A_113 = tpu.memref_slice %arg8[%dma_start3A_112] : memref<32768xi32, #tpu.memory_space<vmem_shared>> -> memref<32768xi32, #tpu.memory_space<vmem_shared>>
      tpu.enqueue_indirect_dma source(%arg7 : memref<128xi32, #tpu.memory_space<vmem>>) target(%dma_start3A_113 : memref<32768xi32, #tpu.memory_space<vmem_shared>>) offsets(%dma_start3A_111 : memref<128xi32, #tpu.memory_space<vmem>>) semaphore(%arg9 : memref<!tpu.dma_semaphore, #tpu.memory_space<semaphore_mem>>) {add = true}
      %ge3A = arith.constant 16 : i32
      %ge3A_114 = arith.cmpi sge, %scan3A_109, %ge3A : i32
      %convert_element_type3A_115 = arith.extui %ge3A_114 : i1 to i32
      %cond3A_116 = arith.constant 0 : i32
      %cond3A_117 = arith.cmpi ne, %convert_element_type3A_115, %cond3A_116 : i32
      scf.if %cond3A_117 {
        %dma_wait3A_118 = arith.constant 0 : i32
        %dma_wait3A_119 = tpu.memref_slice %arg6[%scan3A_109, %dma_wait3A_118] : memref<128x128xi32, #tpu.memory_space<vmem>> -> memref<1x128xi32, #tpu.memory_space<vmem>>
        %dma_wait3A_120 = tpu.memref_squeeze %dma_wait3A_119 : memref<1x128xi32, #tpu.memory_space<vmem>> -> memref<128xi32, #tpu.memory_space<vmem>>
        %dma_wait3A_121 = arith.constant 0 : i32
        %dma_wait3A_122 = tpu.memref_slice %arg8[%dma_wait3A_121] : memref<32768xi32, #tpu.memory_space<vmem_shared>> -> memref<32768xi32, #tpu.memory_space<vmem_shared>>
        tpu.wait_indirect_dma semaphore(%arg9 : memref<!tpu.dma_semaphore, #tpu.memory_space<semaphore_mem>>) src(%arg7 : memref<128xi32, #tpu.memory_space<vmem>>) dst(%dma_wait3A_122 : memref<32768xi32, #tpu.memory_space<vmem_shared>>)
      } else {
      }
    }
    %scan3A_7 = arith.constant 128 : i32
    %dma_wait3A = arith.constant 0 : i32
    %dma_wait3A_8 = arith.constant 0 : i32
    %dma_wait3A_9 = tpu.memref_slice %arg6[%dma_wait3A, %dma_wait3A_8] : memref<128x128xi32, #tpu.memory_space<vmem>> -> memref<1x128xi32, #tpu.memory_space<vmem>>
    %dma_wait3A_10 = tpu.memref_squeeze %dma_wait3A_9 : memref<1x128xi32, #tpu.memory_space<vmem>> -> memref<128xi32, #tpu.memory_space<vmem>>
    %dma_wait3A_11 = arith.constant 0 : i32
    %dma_wait3A_12 = tpu.memref_slice %arg8[%dma_wait3A_11] : memref<32768xi32, #tpu.memory_space<vmem_shared>> -> memref<32768xi32, #tpu.memory_space<vmem_shared>>
    tpu.wait_indirect_dma semaphore(%arg9 : memref<!tpu.dma_semaphore, #tpu.memory_space<semaphore_mem>>) src(%arg7 : memref<128xi32, #tpu.memory_space<vmem>>) dst(%dma_wait3A_12 : memref<32768xi32, #tpu.memory_space<vmem_shared>>)
    %dma_wait3A_13 = arith.constant 0 : i32
    %dma_wait3A_14 = arith.constant 0 : i32
    %dma_wait3A_15 = tpu.memref_slice %arg6[%dma_wait3A_13, %dma_wait3A_14] : memref<128x128xi32, #tpu.memory_space<vmem>> -> memref<1x128xi32, #tpu.memory_space<vmem>>
    %dma_wait3A_16 = tpu.memref_squeeze %dma_wait3A_15 : memref<1x128xi32, #tpu.memory_space<vmem>> -> memref<128xi32, #tpu.memory_space<vmem>>
    %dma_wait3A_17 = arith.constant 0 : i32
    %dma_wait3A_18 = tpu.memref_slice %arg8[%dma_wait3A_17] : memref<32768xi32, #tpu.memory_space<vmem_shared>> -> memref<32768xi32, #tpu.memory_space<vmem_shared>>
    tpu.wait_indirect_dma semaphore(%arg9 : memref<!tpu.dma_semaphore, #tpu.memory_space<semaphore_mem>>) src(%arg7 : memref<128xi32, #tpu.memory_space<vmem>>) dst(%dma_wait3A_18 : memref<32768xi32, #tpu.memory_space<vmem_shared>>)
    %dma_wait3A_19 = arith.constant 0 : i32
    %dma_wait3A_20 = arith.constant 0 : i32
    %dma_wait3A_21 = tpu.memref_slice %arg6[%dma_wait3A_19, %dma_wait3A_20] : memref<128x128xi32, #tpu.memory_space<vmem>> -> memref<1x128xi32, #tpu.memory_space<vmem>>
    %dma_wait3A_22 = tpu.memref_squeeze %dma_wait3A_21 : memref<1x128xi32, #tpu.memory_space<vmem>> -> memref<128xi32, #tpu.memory_space<vmem>>
    %dma_wait3A_23 = arith.constant 0 : i32
    %dma_wait3A_24 = tpu.memref_slice %arg8[%dma_wait3A_23] : memref<32768xi32, #tpu.memory_space<vmem_shared>> -> memref<32768xi32, #tpu.memory_space<vmem_shared>>
    tpu.wait_indirect_dma semaphore(%arg9 : memref<!tpu.dma_semaphore, #tpu.memory_space<semaphore_mem>>) src(%arg7 : memref<128xi32, #tpu.memory_space<vmem>>) dst(%dma_wait3A_24 : memref<32768xi32, #tpu.memory_space<vmem_shared>>)
    %dma_wait3A_25 = arith.constant 0 : i32
    %dma_wait3A_26 = arith.constant 0 : i32
    %dma_wait3A_27 = tpu.memref_slice %arg6[%dma_wait3A_25, %dma_wait3A_26] : memref<128x128xi32, #tpu.memory_space<vmem>> -> memref<1x128xi32, #tpu.memory_space<vmem>>
    %dma_wait3A_28 = tpu.memref_squeeze %dma_wait3A_27 : memref<1x128xi32, #tpu.memory_space<vmem>> -> memref<128xi32, #tpu.memory_space<vmem>>
    %dma_wait3A_29 = arith.constant 0 : i32
    %dma_wait3A_30 = tpu.memref_slice %arg8[%dma_wait3A_29] : memref<32768xi32, #tpu.memory_space<vmem_shared>> -> memref<32768xi32, #tpu.memory_space<vmem_shared>>
    tpu.wait_indirect_dma semaphore(%arg9 : memref<!tpu.dma_semaphore, #tpu.memory_space<semaphore_mem>>) src(%arg7 : memref<128xi32, #tpu.memory_space<vmem>>) dst(%dma_wait3A_30 : memref<32768xi32, #tpu.memory_space<vmem_shared>>)
    %dma_wait3A_31 = arith.constant 0 : i32
    %dma_wait3A_32 = arith.constant 0 : i32
    %dma_wait3A_33 = tpu.memref_slice %arg6[%dma_wait3A_31, %dma_wait3A_32] : memref<128x128xi32, #tpu.memory_space<vmem>> -> memref<1x128xi32, #tpu.memory_space<vmem>>
    %dma_wait3A_34 = tpu.memref_squeeze %dma_wait3A_33 : memref<1x128xi32, #tpu.memory_space<vmem>> -> memref<128xi32, #tpu.memory_space<vmem>>
    %dma_wait3A_35 = arith.constant 0 : i32
    %dma_wait3A_36 = tpu.memref_slice %arg8[%dma_wait3A_35] : memref<32768xi32, #tpu.memory_space<vmem_shared>> -> memref<32768xi32, #tpu.memory_space<vmem_shared>>
    tpu.wait_indirect_dma semaphore(%arg9 : memref<!tpu.dma_semaphore, #tpu.memory_space<semaphore_mem>>) src(%arg7 : memref<128xi32, #tpu.memory_space<vmem>>) dst(%dma_wait3A_36 : memref<32768xi32, #tpu.memory_space<vmem_shared>>)
    %dma_wait3A_37 = arith.constant 0 : i32
    %dma_wait3A_38 = arith.constant 0 : i32
    %dma_wait3A_39 = tpu.memref_slice %arg6[%dma_wait3A_37, %dma_wait3A_38] : memref<128x128xi32, #tpu.memory_space<vmem>> -> memref<1x128xi32, #tpu.memory_space<vmem>>
    %dma_wait3A_40 = tpu.memref_squeeze %dma_wait3A_39 : memref<1x128xi32, #tpu.memory_space<vmem>> -> memref<128xi32, #tpu.memory_space<vmem>>
    %dma_wait3A_41 = arith.constant 0 : i32
    %dma_wait3A_42 = tpu.memref_slice %arg8[%dma_wait3A_41] : memref<32768xi32, #tpu.memory_space<vmem_shared>> -> memref<32768xi32, #tpu.memory_space<vmem_shared>>
    tpu.wait_indirect_dma semaphore(%arg9 : memref<!tpu.dma_semaphore, #tpu.memory_space<semaphore_mem>>) src(%arg7 : memref<128xi32, #tpu.memory_space<vmem>>) dst(%dma_wait3A_42 : memref<32768xi32, #tpu.memory_space<vmem_shared>>)
    %dma_wait3A_43 = arith.constant 0 : i32
    %dma_wait3A_44 = arith.constant 0 : i32
    %dma_wait3A_45 = tpu.memref_slice %arg6[%dma_wait3A_43, %dma_wait3A_44] : memref<128x128xi32, #tpu.memory_space<vmem>> -> memref<1x128xi32, #tpu.memory_space<vmem>>
    %dma_wait3A_46 = tpu.memref_squeeze %dma_wait3A_45 : memref<1x128xi32, #tpu.memory_space<vmem>> -> memref<128xi32, #tpu.memory_space<vmem>>
    %dma_wait3A_47 = arith.constant 0 : i32
    %dma_wait3A_48 = tpu.memref_slice %arg8[%dma_wait3A_47] : memref<32768xi32, #tpu.memory_space<vmem_shared>> -> memref<32768xi32, #tpu.memory_space<vmem_shared>>
    tpu.wait_indirect_dma semaphore(%arg9 : memref<!tpu.dma_semaphore, #tpu.memory_space<semaphore_mem>>) src(%arg7 : memref<128xi32, #tpu.memory_space<vmem>>) dst(%dma_wait3A_48 : memref<32768xi32, #tpu.memory_space<vmem_shared>>)
    %dma_wait3A_49 = arith.constant 0 : i32
    %dma_wait3A_50 = arith.constant 0 : i32
    %dma_wait3A_51 = tpu.memref_slice %arg6[%dma_wait3A_49, %dma_wait3A_50] : memref<128x128xi32, #tpu.memory_space<vmem>> -> memref<1x128xi32, #tpu.memory_space<vmem>>
    %dma_wait3A_52 = tpu.memref_squeeze %dma_wait3A_51 : memref<1x128xi32, #tpu.memory_space<vmem>> -> memref<128xi32, #tpu.memory_space<vmem>>
    %dma_wait3A_53 = arith.constant 0 : i32
    %dma_wait3A_54 = tpu.memref_slice %arg8[%dma_wait3A_53] : memref<32768xi32, #tpu.memory_space<vmem_shared>> -> memref<32768xi32, #tpu.memory_space<vmem_shared>>
    tpu.wait_indirect_dma semaphore(%arg9 : memref<!tpu.dma_semaphore, #tpu.memory_space<semaphore_mem>>) src(%arg7 : memref<128xi32, #tpu.memory_space<vmem>>) dst(%dma_wait3A_54 : memref<32768xi32, #tpu.memory_space<vmem_shared>>)
    %dma_wait3A_55 = arith.constant 0 : i32
    %dma_wait3A_56 = arith.constant 0 : i32
    %dma_wait3A_57 = tpu.memref_slice %arg6[%dma_wait3A_55, %dma_wait3A_56] : memref<128x128xi32, #tpu.memory_space<vmem>> -> memref<1x128xi32, #tpu.memory_space<vmem>>
    %dma_wait3A_58 = tpu.memref_squeeze %dma_wait3A_57 : memref<1x128xi32, #tpu.memory_space<vmem>> -> memref<128xi32, #tpu.memory_space<vmem>>
    %dma_wait3A_59 = arith.constant 0 : i32
    %dma_wait3A_60 = tpu.memref_slice %arg8[%dma_wait3A_59] : memref<32768xi32, #tpu.memory_space<vmem_shared>> -> memref<32768xi32, #tpu.memory_space<vmem_shared>>
    tpu.wait_indirect_dma semaphore(%arg9 : memref<!tpu.dma_semaphore, #tpu.memory_space<semaphore_mem>>) src(%arg7 : memref<128xi32, #tpu.memory_space<vmem>>) dst(%dma_wait3A_60 : memref<32768xi32, #tpu.memory_space<vmem_shared>>)
    %dma_wait3A_61 = arith.constant 0 : i32
    %dma_wait3A_62 = arith.constant 0 : i32
    %dma_wait3A_63 = tpu.memref_slice %arg6[%dma_wait3A_61, %dma_wait3A_62] : memref<128x128xi32, #tpu.memory_space<vmem>> -> memref<1x128xi32, #tpu.memory_space<vmem>>
    %dma_wait3A_64 = tpu.memref_squeeze %dma_wait3A_63 : memref<1x128xi32, #tpu.memory_space<vmem>> -> memref<128xi32, #tpu.memory_space<vmem>>
    %dma_wait3A_65 = arith.constant 0 : i32
    %dma_wait3A_66 = tpu.memref_slice %arg8[%dma_wait3A_65] : memref<32768xi32, #tpu.memory_space<vmem_shared>> -> memref<32768xi32, #tpu.memory_space<vmem_shared>>
    tpu.wait_indirect_dma semaphore(%arg9 : memref<!tpu.dma_semaphore, #tpu.memory_space<semaphore_mem>>) src(%arg7 : memref<128xi32, #tpu.memory_space<vmem>>) dst(%dma_wait3A_66 : memref<32768xi32, #tpu.memory_space<vmem_shared>>)
    %dma_wait3A_67 = arith.constant 0 : i32
    %dma_wait3A_68 = arith.constant 0 : i32
    %dma_wait3A_69 = tpu.memref_slice %arg6[%dma_wait3A_67, %dma_wait3A_68] : memref<128x128xi32, #tpu.memory_space<vmem>> -> memref<1x128xi32, #tpu.memory_space<vmem>>
    %dma_wait3A_70 = tpu.memref_squeeze %dma_wait3A_69 : memref<1x128xi32, #tpu.memory_space<vmem>> -> memref<128xi32, #tpu.memory_space<vmem>>
    %dma_wait3A_71 = arith.constant 0 : i32
    %dma_wait3A_72 = tpu.memref_slice %arg8[%dma_wait3A_71] : memref<32768xi32, #tpu.memory_space<vmem_shared>> -> memref<32768xi32, #tpu.memory_space<vmem_shared>>
    tpu.wait_indirect_dma semaphore(%arg9 : memref<!tpu.dma_semaphore, #tpu.memory_space<semaphore_mem>>) src(%arg7 : memref<128xi32, #tpu.memory_space<vmem>>) dst(%dma_wait3A_72 : memref<32768xi32, #tpu.memory_space<vmem_shared>>)
    %dma_wait3A_73 = arith.constant 0 : i32
    %dma_wait3A_74 = arith.constant 0 : i32
    %dma_wait3A_75 = tpu.memref_slice %arg6[%dma_wait3A_73, %dma_wait3A_74] : memref<128x128xi32, #tpu.memory_space<vmem>> -> memref<1x128xi32, #tpu.memory_space<vmem>>
    %dma_wait3A_76 = tpu.memref_squeeze %dma_wait3A_75 : memref<1x128xi32, #tpu.memory_space<vmem>> -> memref<128xi32, #tpu.memory_space<vmem>>
    %dma_wait3A_77 = arith.constant 0 : i32
    %dma_wait3A_78 = tpu.memref_slice %arg8[%dma_wait3A_77] : memref<32768xi32, #tpu.memory_space<vmem_shared>> -> memref<32768xi32, #tpu.memory_space<vmem_shared>>
    tpu.wait_indirect_dma semaphore(%arg9 : memref<!tpu.dma_semaphore, #tpu.memory_space<semaphore_mem>>) src(%arg7 : memref<128xi32, #tpu.memory_space<vmem>>) dst(%dma_wait3A_78 : memref<32768xi32, #tpu.memory_space<vmem_shared>>)
    %dma_wait3A_79 = arith.constant 0 : i32
    %dma_wait3A_80 = arith.constant 0 : i32
    %dma_wait3A_81 = tpu.memref_slice %arg6[%dma_wait3A_79, %dma_wait3A_80] : memref<128x128xi32, #tpu.memory_space<vmem>> -> memref<1x128xi32, #tpu.memory_space<vmem>>
    %dma_wait3A_82 = tpu.memref_squeeze %dma_wait3A_81 : memref<1x128xi32, #tpu.memory_space<vmem>> -> memref<128xi32, #tpu.memory_space<vmem>>
    %dma_wait3A_83 = arith.constant 0 : i32
    %dma_wait3A_84 = tpu.memref_slice %arg8[%dma_wait3A_83] : memref<32768xi32, #tpu.memory_space<vmem_shared>> -> memref<32768xi32, #tpu.memory_space<vmem_shared>>
    tpu.wait_indirect_dma semaphore(%arg9 : memref<!tpu.dma_semaphore, #tpu.memory_space<semaphore_mem>>) src(%arg7 : memref<128xi32, #tpu.memory_space<vmem>>) dst(%dma_wait3A_84 : memref<32768xi32, #tpu.memory_space<vmem_shared>>)
    %dma_wait3A_85 = arith.constant 0 : i32
    %dma_wait3A_86 = arith.constant 0 : i32
    %dma_wait3A_87 = tpu.memref_slice %arg6[%dma_wait3A_85, %dma_wait3A_86] : memref<128x128xi32, #tpu.memory_space<vmem>> -> memref<1x128xi32, #tpu.memory_space<vmem>>
    %dma_wait3A_88 = tpu.memref_squeeze %dma_wait3A_87 : memref<1x128xi32, #tpu.memory_space<vmem>> -> memref<128xi32, #tpu.memory_space<vmem>>
    %dma_wait3A_89 = arith.constant 0 : i32
    %dma_wait3A_90 = tpu.memref_slice %arg8[%dma_wait3A_89] : memref<32768xi32, #tpu.memory_space<vmem_shared>> -> memref<32768xi32, #tpu.memory_space<vmem_shared>>
    tpu.wait_indirect_dma semaphore(%arg9 : memref<!tpu.dma_semaphore, #tpu.memory_space<semaphore_mem>>) src(%arg7 : memref<128xi32, #tpu.memory_space<vmem>>) dst(%dma_wait3A_90 : memref<32768xi32, #tpu.memory_space<vmem_shared>>)
    %dma_wait3A_91 = arith.constant 0 : i32
    %dma_wait3A_92 = arith.constant 0 : i32
    %dma_wait3A_93 = tpu.memref_slice %arg6[%dma_wait3A_91, %dma_wait3A_92] : memref<128x128xi32, #tpu.memory_space<vmem>> -> memref<1x128xi32, #tpu.memory_space<vmem>>
    %dma_wait3A_94 = tpu.memref_squeeze %dma_wait3A_93 : memref<1x128xi32, #tpu.memory_space<vmem>> -> memref<128xi32, #tpu.memory_space<vmem>>
    %dma_wait3A_95 = arith.constant 0 : i32
    %dma_wait3A_96 = tpu.memref_slice %arg8[%dma_wait3A_95] : memref<32768xi32, #tpu.memory_space<vmem_shared>> -> memref<32768xi32, #tpu.memory_space<vmem_shared>>
    tpu.wait_indirect_dma semaphore(%arg9 : memref<!tpu.dma_semaphore, #tpu.memory_space<semaphore_mem>>) src(%arg7 : memref<128xi32, #tpu.memory_space<vmem>>) dst(%dma_wait3A_96 : memref<32768xi32, #tpu.memory_space<vmem_shared>>)
    %dma_wait3A_97 = arith.constant 0 : i32
    %dma_wait3A_98 = arith.constant 0 : i32
    %dma_wait3A_99 = tpu.memref_slice %arg6[%dma_wait3A_97, %dma_wait3A_98] : memref<128x128xi32, #tpu.memory_space<vmem>> -> memref<1x128xi32, #tpu.memory_space<vmem>>
    %dma_wait3A_100 = tpu.memref_squeeze %dma_wait3A_99 : memref<1x128xi32, #tpu.memory_space<vmem>> -> memref<128xi32, #tpu.memory_space<vmem>>
    %dma_wait3A_101 = arith.constant 0 : i32
    %dma_wait3A_102 = tpu.memref_slice %arg8[%dma_wait3A_101] : memref<32768xi32, #tpu.memory_space<vmem_shared>> -> memref<32768xi32, #tpu.memory_space<vmem_shared>>
    tpu.wait_indirect_dma semaphore(%arg9 : memref<!tpu.dma_semaphore, #tpu.memory_space<semaphore_mem>>) src(%arg7 : memref<128xi32, #tpu.memory_space<vmem>>) dst(%dma_wait3A_102 : memref<32768xi32, #tpu.memory_space<vmem_shared>>)
    %barrier3A_103 = arith.constant 0 : index
    tpu.barrier barrier_id(%barrier3A_103)
    %eq3A_104 = arith.constant 0 : i32
    %eq3A_105 = arith.cmpi eq, %arg1, %eq3A_104 : i32
    %convert_element_type3A_106 = arith.extui %eq3A_105 : i1 to i32
    %cond3A_107 = arith.constant 0 : i32
    %cond3A_108 = arith.cmpi ne, %convert_element_type3A_106, %cond3A_107 : i32
    scf.if %cond3A_108 {
      "tpu.region"() ({
        %run_scoped3A = tpu.sem_alloc : memref<!tpu.dma_semaphore, #tpu.memory_space<semaphore_mem>>
        %dma_start3A = arith.constant 0 : i32
        %dma_start3A_109 = tpu.memref_slice %arg5[%arg0, %dma_start3A] : memref<2x32768xi32, #tpu.memory_space<hbm>> -> memref<1x32768xi32, #tpu.memory_space<hbm>>
        %dma_start3A_110 = tpu.memref_squeeze %dma_start3A_109 : memref<1x32768xi32, #tpu.memory_space<hbm>> -> memref<32768xi32, #tpu.memory_space<hbm>>
        tpu.enqueue_dma source(%arg8 : memref<32768xi32, #tpu.memory_space<vmem_shared>>) target(%dma_start3A_110 : memref<32768xi32, #tpu.memory_space<hbm>>) target_semaphore(%run_scoped3A : memref<!tpu.dma_semaphore, #tpu.memory_space<semaphore_mem>>)
        %dma_wait3A_111 = arith.constant 0 : i32
        %dma_wait3A_112 = tpu.memref_slice %arg5[%arg0, %dma_wait3A_111] : memref<2x32768xi32, #tpu.memory_space<hbm>> -> memref<1x32768xi32, #tpu.memory_space<hbm>>
        %dma_wait3A_113 = tpu.memref_squeeze %dma_wait3A_112 : memref<1x32768xi32, #tpu.memory_space<hbm>> -> memref<32768xi32, #tpu.memory_space<hbm>>
        tpu.wait_dma2 semaphore(%run_scoped3A : memref<!tpu.dma_semaphore, #tpu.memory_space<semaphore_mem>>) src(%arg8 : memref<32768xi32, #tpu.memory_space<vmem_shared>>) dst(%dma_wait3A_113 : memref<32768xi32, #tpu.memory_space<hbm>>)
        tpu.yield
      }) : () -> ()
    } else {
    }
    return
  }
}

module attributes {stable_mosaic.version = 14 : i64} {
  func.func @_scan_body(%arg0: memref<2x256x128xi32, #tpu.memory_space<vmem>>, %arg1: memref<257x128xi32, #tpu.memory_space<vmem>>) attributes {dimension_semantics = [], scalar_prefetch = 0 : i64, scratch_operands = 0 : i64, tpu.core_type = #tpu.core_type<tc>} {
    %get3A = arith.constant 0 : index
    %get3A_0 = arith.constant 0 : index
    %get3A_1 = arith.constant 0 : index
    %get3A_2 = vector.load %arg0[%get3A, %get3A_0, %get3A_1] : memref<2x256x128xi32, #tpu.memory_space<vmem>>, vector<2x256x128xi32>
    %slice3A = vector.extract_strided_slice %get3A_2 {offsets = [0, 0, 0], sizes = [1, 256, 128], strides = [1, 1, 1]} : vector<2x256x128xi32> to vector<1x256x128xi32>
    %squeeze3A = vector.shape_cast %slice3A : vector<1x256x128xi32> to vector<256x128xi32>
    %slice3A_3 = vector.extract_strided_slice %get3A_2 {offsets = [1, 0, 0], sizes = [1, 256, 128], strides = [1, 1, 1]} : vector<2x256x128xi32> to vector<1x256x128xi32>
    %squeeze3A_4 = vector.shape_cast %slice3A_3 : vector<1x256x128xi32> to vector<256x128xi32>
    %add3A = arith.addi %squeeze3A, %squeeze3A_4 : vector<256x128xi32>
    %broadcast_in_dim3A = arith.constant 0 : i32
    %broadcast_in_dim3A_5 = vector.broadcast %broadcast_in_dim3A : i32 to vector<256x1xi32>
    %slice3A_6 = vector.extract_strided_slice %add3A {offsets = [0, 0], sizes = [256, 127], strides = [1, 1]} : vector<256x128xi32> to vector<256x127xi32>
    %concatenate3A = tpu.concatenate %broadcast_in_dim3A_5, %slice3A_6 in 1 : vector<256x1xi32>, vector<256x127xi32> -> vector<256x128xi32>
    %add3A_7 = arith.addi %add3A, %concatenate3A : vector<256x128xi32>
    %broadcast_in_dim3A_8 = arith.constant 0 : i32
    %broadcast_in_dim3A_9 = vector.broadcast %broadcast_in_dim3A_8 : i32 to vector<256x2xi32>
    %slice3A_10 = vector.extract_strided_slice %add3A_7 {offsets = [0, 0], sizes = [256, 126], strides = [1, 1]} : vector<256x128xi32> to vector<256x126xi32>
    %concatenate3A_11 = tpu.concatenate %broadcast_in_dim3A_9, %slice3A_10 in 1 : vector<256x2xi32>, vector<256x126xi32> -> vector<256x128xi32>
    %add3A_12 = arith.addi %add3A_7, %concatenate3A_11 : vector<256x128xi32>
    %broadcast_in_dim3A_13 = arith.constant 0 : i32
    %broadcast_in_dim3A_14 = vector.broadcast %broadcast_in_dim3A_13 : i32 to vector<256x4xi32>
    %slice3A_15 = vector.extract_strided_slice %add3A_12 {offsets = [0, 0], sizes = [256, 124], strides = [1, 1]} : vector<256x128xi32> to vector<256x124xi32>
    %concatenate3A_16 = tpu.concatenate %broadcast_in_dim3A_14, %slice3A_15 in 1 : vector<256x4xi32>, vector<256x124xi32> -> vector<256x128xi32>
    %add3A_17 = arith.addi %add3A_12, %concatenate3A_16 : vector<256x128xi32>
    %broadcast_in_dim3A_18 = arith.constant 0 : i32
    %broadcast_in_dim3A_19 = vector.broadcast %broadcast_in_dim3A_18 : i32 to vector<256x8xi32>
    %slice3A_20 = vector.extract_strided_slice %add3A_17 {offsets = [0, 0], sizes = [256, 120], strides = [1, 1]} : vector<256x128xi32> to vector<256x120xi32>
    %concatenate3A_21 = tpu.concatenate %broadcast_in_dim3A_19, %slice3A_20 in 1 : vector<256x8xi32>, vector<256x120xi32> -> vector<256x128xi32>
    %add3A_22 = arith.addi %add3A_17, %concatenate3A_21 : vector<256x128xi32>
    %broadcast_in_dim3A_23 = arith.constant 0 : i32
    %broadcast_in_dim3A_24 = vector.broadcast %broadcast_in_dim3A_23 : i32 to vector<256x16xi32>
    %slice3A_25 = vector.extract_strided_slice %add3A_22 {offsets = [0, 0], sizes = [256, 112], strides = [1, 1]} : vector<256x128xi32> to vector<256x112xi32>
    %concatenate3A_26 = tpu.concatenate %broadcast_in_dim3A_24, %slice3A_25 in 1 : vector<256x16xi32>, vector<256x112xi32> -> vector<256x128xi32>
    %add3A_27 = arith.addi %add3A_22, %concatenate3A_26 : vector<256x128xi32>
    %broadcast_in_dim3A_28 = arith.constant 0 : i32
    %broadcast_in_dim3A_29 = vector.broadcast %broadcast_in_dim3A_28 : i32 to vector<256x32xi32>
    %slice3A_30 = vector.extract_strided_slice %add3A_27 {offsets = [0, 0], sizes = [256, 96], strides = [1, 1]} : vector<256x128xi32> to vector<256x96xi32>
    %concatenate3A_31 = tpu.concatenate %broadcast_in_dim3A_29, %slice3A_30 in 1 : vector<256x32xi32>, vector<256x96xi32> -> vector<256x128xi32>
    %add3A_32 = arith.addi %add3A_27, %concatenate3A_31 : vector<256x128xi32>
    %broadcast_in_dim3A_33 = arith.constant 0 : i32
    %broadcast_in_dim3A_34 = vector.broadcast %broadcast_in_dim3A_33 : i32 to vector<256x64xi32>
    %slice3A_35 = vector.extract_strided_slice %add3A_32 {offsets = [0, 0], sizes = [256, 64], strides = [1, 1]} : vector<256x128xi32> to vector<256x64xi32>
    %concatenate3A_36 = tpu.concatenate %broadcast_in_dim3A_34, %slice3A_35 in 1 : vector<256x64xi32>, vector<256x64xi32> -> vector<256x128xi32>
    %add3A_37 = arith.addi %add3A_32, %concatenate3A_36 : vector<256x128xi32>
    %broadcast_in_dim3A_38 = arith.constant 0 : i32
    %broadcast_in_dim3A_39 = vector.broadcast %broadcast_in_dim3A_38 : i32 to vector<256x1xi32>
    %slice3A_40 = vector.extract_strided_slice %add3A_37 {offsets = [0, 0], sizes = [256, 127], strides = [1, 1]} : vector<256x128xi32> to vector<256x127xi32>
    %concatenate3A_41 = tpu.concatenate %broadcast_in_dim3A_39, %slice3A_40 in 1 : vector<256x1xi32>, vector<256x127xi32> -> vector<256x128xi32>
    %slice3A_42 = vector.extract_strided_slice %add3A_37 {offsets = [0, 127], sizes = [256, 1], strides = [1, 1]} : vector<256x128xi32> to vector<256x1xi32>
    %broadcast_in_dim3A_43 = arith.constant 0 : i32
    %broadcast_in_dim3A_44 = vector.broadcast %broadcast_in_dim3A_43 : i32 to vector<1x1xi32>
    %slice3A_45 = vector.extract_strided_slice %slice3A_42 {offsets = [0, 0], sizes = [255, 1], strides = [1, 1]} : vector<256x1xi32> to vector<255x1xi32>
    %concatenate3A_46 = tpu.concatenate %broadcast_in_dim3A_44, %slice3A_45 in 0 : vector<1x1xi32>, vector<255x1xi32> -> vector<256x1xi32>
    %add3A_47 = arith.addi %slice3A_42, %concatenate3A_46 : vector<256x1xi32>
    %broadcast_in_dim3A_48 = arith.constant 0 : i32
    %broadcast_in_dim3A_49 = vector.broadcast %broadcast_in_dim3A_48 : i32 to vector<2x1xi32>
    %slice3A_50 = vector.extract_strided_slice %add3A_47 {offsets = [0, 0], sizes = [254, 1], strides = [1, 1]} : vector<256x1xi32> to vector<254x1xi32>
    %concatenate3A_51 = tpu.concatenate %broadcast_in_dim3A_49, %slice3A_50 in 0 : vector<2x1xi32>, vector<254x1xi32> -> vector<256x1xi32>
    %add3A_52 = arith.addi %add3A_47, %concatenate3A_51 : vector<256x1xi32>
    %broadcast_in_dim3A_53 = arith.constant 0 : i32
    %broadcast_in_dim3A_54 = vector.broadcast %broadcast_in_dim3A_53 : i32 to vector<4x1xi32>
    %slice3A_55 = vector.extract_strided_slice %add3A_52 {offsets = [0, 0], sizes = [252, 1], strides = [1, 1]} : vector<256x1xi32> to vector<252x1xi32>
    %concatenate3A_56 = tpu.concatenate %broadcast_in_dim3A_54, %slice3A_55 in 0 : vector<4x1xi32>, vector<252x1xi32> -> vector<256x1xi32>
    %add3A_57 = arith.addi %add3A_52, %concatenate3A_56 : vector<256x1xi32>
    %broadcast_in_dim3A_58 = arith.constant 0 : i32
    %broadcast_in_dim3A_59 = vector.broadcast %broadcast_in_dim3A_58 : i32 to vector<8x1xi32>
    %slice3A_60 = vector.extract_strided_slice %add3A_57 {offsets = [0, 0], sizes = [248, 1], strides = [1, 1]} : vector<256x1xi32> to vector<248x1xi32>
    %concatenate3A_61 = tpu.concatenate %broadcast_in_dim3A_59, %slice3A_60 in 0 : vector<8x1xi32>, vector<248x1xi32> -> vector<256x1xi32>
    %add3A_62 = arith.addi %add3A_57, %concatenate3A_61 : vector<256x1xi32>
    %broadcast_in_dim3A_63 = arith.constant 0 : i32
    %broadcast_in_dim3A_64 = vector.broadcast %broadcast_in_dim3A_63 : i32 to vector<16x1xi32>
    %slice3A_65 = vector.extract_strided_slice %add3A_62 {offsets = [0, 0], sizes = [240, 1], strides = [1, 1]} : vector<256x1xi32> to vector<240x1xi32>
    %concatenate3A_66 = tpu.concatenate %broadcast_in_dim3A_64, %slice3A_65 in 0 : vector<16x1xi32>, vector<240x1xi32> -> vector<256x1xi32>
    %add3A_67 = arith.addi %add3A_62, %concatenate3A_66 : vector<256x1xi32>
    %broadcast_in_dim3A_68 = arith.constant 0 : i32
    %broadcast_in_dim3A_69 = vector.broadcast %broadcast_in_dim3A_68 : i32 to vector<32x1xi32>
    %slice3A_70 = vector.extract_strided_slice %add3A_67 {offsets = [0, 0], sizes = [224, 1], strides = [1, 1]} : vector<256x1xi32> to vector<224x1xi32>
    %concatenate3A_71 = tpu.concatenate %broadcast_in_dim3A_69, %slice3A_70 in 0 : vector<32x1xi32>, vector<224x1xi32> -> vector<256x1xi32>
    %add3A_72 = arith.addi %add3A_67, %concatenate3A_71 : vector<256x1xi32>
    %broadcast_in_dim3A_73 = arith.constant 0 : i32
    %broadcast_in_dim3A_74 = vector.broadcast %broadcast_in_dim3A_73 : i32 to vector<64x1xi32>
    %slice3A_75 = vector.extract_strided_slice %add3A_72 {offsets = [0, 0], sizes = [192, 1], strides = [1, 1]} : vector<256x1xi32> to vector<192x1xi32>
    %concatenate3A_76 = tpu.concatenate %broadcast_in_dim3A_74, %slice3A_75 in 0 : vector<64x1xi32>, vector<192x1xi32> -> vector<256x1xi32>
    %add3A_77 = arith.addi %add3A_72, %concatenate3A_76 : vector<256x1xi32>
    %broadcast_in_dim3A_78 = arith.constant 0 : i32
    %broadcast_in_dim3A_79 = vector.broadcast %broadcast_in_dim3A_78 : i32 to vector<128x1xi32>
    %slice3A_80 = vector.extract_strided_slice %add3A_77 {offsets = [0, 0], sizes = [128, 1], strides = [1, 1]} : vector<256x1xi32> to vector<128x1xi32>
    %concatenate3A_81 = tpu.concatenate %broadcast_in_dim3A_79, %slice3A_80 in 0 : vector<128x1xi32>, vector<128x1xi32> -> vector<256x1xi32>
    %add3A_82 = arith.addi %add3A_77, %concatenate3A_81 : vector<256x1xi32>
    %broadcast_in_dim3A_83 = arith.constant 0 : i32
    %broadcast_in_dim3A_84 = vector.broadcast %broadcast_in_dim3A_83 : i32 to vector<1x1xi32>
    %slice3A_85 = vector.extract_strided_slice %add3A_82 {offsets = [0, 0], sizes = [255, 1], strides = [1, 1]} : vector<256x1xi32> to vector<255x1xi32>
    %concatenate3A_86 = tpu.concatenate %broadcast_in_dim3A_84, %slice3A_85 in 0 : vector<1x1xi32>, vector<255x1xi32> -> vector<256x1xi32>
    %add3A_87 = vector.broadcast %concatenate3A_86 : vector<256x1xi32> to vector<256x128xi32>
    %add3A_88 = arith.addi %concatenate3A_41, %add3A_87 : vector<256x128xi32>
    %slice3A_89 = vector.extract_strided_slice %add3A_82 {offsets = [255, 0], sizes = [1, 1], strides = [1, 1]} : vector<256x1xi32> to vector<1x1xi32>
    %broadcast_in_dim3A_90 = vector.shape_cast %slice3A_89 : vector<1x1xi32> to vector<1x1xi32>
    %broadcast_in_dim3A_91 = vector.broadcast %broadcast_in_dim3A_90 : vector<1x1xi32> to vector<1x128xi32>
    %concatenate3A_92 = tpu.concatenate %add3A_88, %broadcast_in_dim3A_91 in 0 : vector<256x128xi32>, vector<1x128xi32> -> vector<257x128xi32>
    %swap3A = arith.constant 0 : index
    %swap3A_93 = arith.constant 0 : index
    %swap3A_94 = vector.load %arg1[%swap3A, %swap3A_93] : memref<257x128xi32, #tpu.memory_space<vmem>>, vector<257x128xi32>
    tpu.vector_store %arg1[%swap3A, %swap3A_93], %concatenate3A_92 {strides = array<i32>} : memref<257x128xi32, #tpu.memory_space<vmem>>, vector<257x128xi32>,
    return
  }
}

module attributes {stable_mosaic.version = 14 : i64} {
  func.func @_expand_body(%arg0: i32, %arg1: memref<1x1xi32, #tpu.memory_space<smem>>, %arg2: memref<32768xi32, #tpu.memory_space<vmem>>, %arg3: memref<32768xi32, #tpu.memory_space<vmem>>, %arg4: memref<16x32768xi32, #tpu.memory_space<vmem>>, %arg5: memref<16x32768xi8, #tpu.memory_space<vmem>>, %arg6: memref<16x32768xi32, #tpu.memory_space<vmem>>) attributes {dimension_semantics = [#tpu.dimension_semantics<arbitrary>], iteration_bounds = array<i64: 8>, scalar_prefetch = 0 : i64, scratch_operands = 0 : i64, tpu.core_type = #tpu.core_type<tc>, window_params = [{transform_indices = @transform_0, window_bounds = array<i64: 1, 1>}, {transform_indices = @transform_1, window_bounds = array<i64: 32768>}, {transform_indices = @transform_2, window_bounds = array<i64: 32768>}, {transform_indices = @transform_3, window_bounds = array<i64: 16, 32768>}, {transform_indices = @transform_4, window_bounds = array<i64: 16, 32768>}, {transform_indices = @transform_5, window_bounds = array<i64: 16, 32768>}]} {
    %get3A = arith.constant 0 : index
    %get3A_0 = vector.load %arg2[%get3A] : memref<32768xi32, #tpu.memory_space<vmem>>, vector<32768xi32>
    %get3A_1 = arith.constant 0 : index
    %get3A_2 = vector.load %arg3[%get3A_1] : memref<32768xi32, #tpu.memory_space<vmem>>, vector<32768xi32>
    %get3A_3 = arith.constant 0 : index
    %get3A_4 = arith.constant 0 : index
    %get3A_5 = memref.load %arg1[%get3A_3, %get3A_4] : memref<1x1xi32, #tpu.memory_space<smem>>
    %min3A = vector.broadcast %get3A_5 : i32 to vector<32768xi32>
    %min3A_6 = arith.minsi %get3A_2, %min3A : vector<32768xi32>
    %iota3A = tpu.iota {dimensions = array<i32: 0>} : vector<16x32768xi32>
    %broadcast_in_dim3A = vector.shape_cast %get3A_0 : vector<32768xi32> to vector<1x32768xi32>
    %add3A = vector.broadcast %broadcast_in_dim3A : vector<1x32768xi32> to vector<16x32768xi32>
    %add3A_7 = arith.addi %add3A, %iota3A : vector<16x32768xi32>
    %swap3A = arith.constant 0 : index
    %swap3A_8 = arith.constant 0 : index
    %swap3A_9 = vector.load %arg4[%swap3A, %swap3A_8] : memref<16x32768xi32, #tpu.memory_space<vmem>>, vector<16x32768xi32>
    tpu.vector_store %arg4[%swap3A, %swap3A_8], %add3A_7 {strides = array<i32>} : memref<16x32768xi32, #tpu.memory_space<vmem>>, vector<16x32768xi32>,
    %broadcast_in_dim3A_10 = vector.shape_cast %min3A_6 : vector<32768xi32> to vector<1x32768xi32>
    %lt3A = vector.broadcast %broadcast_in_dim3A_10 : vector<1x32768xi32> to vector<16x32768xi32>
    %lt3A_11 = arith.cmpi slt, %iota3A, %lt3A : vector<16x32768xi32>
    %convert_element_type3A = arith.extui %lt3A_11 : vector<16x32768xi1> to vector<16x32768xi8>
    %swap3A_12 = arith.constant 0 : index
    %swap3A_13 = arith.constant 0 : index
    %swap3A_14 = vector.load %arg5[%swap3A_12, %swap3A_13] : memref<16x32768xi8, #tpu.memory_space<vmem>>, vector<16x32768xi8>
    tpu.vector_store %arg5[%swap3A_12, %swap3A_13], %convert_element_type3A {strides = array<i32>} : memref<16x32768xi8, #tpu.memory_space<vmem>>, vector<16x32768xi8>,
    %mul3A = arith.constant 32768 : i32
    %mul3A_15 = arith.muli %arg0, %mul3A : i32
    %iota3A_16 = tpu.iota {dimensions = array<i32: 1>} : vector<16x32768xi32>
    %add3A_17 = vector.broadcast %mul3A_15 : i32 to vector<16x32768xi32>
    %add3A_18 = arith.addi %add3A_17, %iota3A_16 : vector<16x32768xi32>
    %swap3A_19 = arith.constant 0 : index
    %swap3A_20 = arith.constant 0 : index
    %swap3A_21 = vector.load %arg6[%swap3A_19, %swap3A_20] : memref<16x32768xi32, #tpu.memory_space<vmem>>, vector<16x32768xi32>
    tpu.vector_store %arg6[%swap3A_19, %swap3A_20], %add3A_18 {strides = array<i32>} : memref<16x32768xi32, #tpu.memory_space<vmem>>, vector<16x32768xi32>,
    return
  }
  func.func @transform_0(%arg0: i32) -> (i32, i32) {
    %c0_i32 = arith.constant 0 : i32
    %c0_i32_0 = arith.constant 0 : i32
    %c0_i32_1 = arith.constant 0 : i32
    return %c0_i32, %c0_i32_0 : i32, i32
  }
  func.func @transform_1(%arg0: i32) -> i32 {
    %c0_i32 = arith.constant 0 : i32
    return %arg0 : i32
  }
  func.func @transform_2(%arg0: i32) -> i32 {
    %c0_i32 = arith.constant 0 : i32
    return %arg0 : i32
  }
  func.func @transform_3(%arg0: i32) -> (i32, i32) {
    %c0_i32 = arith.constant 0 : i32
    %c0_i32_0 = arith.constant 0 : i32
    return %c0_i32, %arg0 : i32, i32
  }
  func.func @transform_4(%arg0: i32) -> (i32, i32) {
    %c0_i32 = arith.constant 0 : i32
    %c0_i32_0 = arith.constant 0 : i32
    return %c0_i32, %arg0 : i32, i32
  }
  func.func @transform_5(%arg0: i32) -> (i32, i32) {
    %c0_i32 = arith.constant 0 : i32
    %c0_i32_0 = arith.constant 0 : i32
    return %c0_i32, %arg0 : i32, i32
  }
}

</mosaic_0001>

<sc_bundles>
// kernel: kernel.6.cloned.1.call-start
scs
__scs_entry_jumppad:
0x0: {  	(pc) =	sbr.rel $0x88, $3  }
0x1: {  	(tag) =	ssettag $0x0;
	lr =	simm.s32 $0x1  }
0x2: {  	[smem:$0x3F9E] =	sst lr;
	_ =	strace $0xD0000000  }
0x3: {  	_ = 	snop  }
0x4: {  	_ = 	snop  }
0x5: {  	_ = 	snop  }
0x6: {  	_ = 	snop  }
0x7: {  	_ = 	snop  }
__scs_overlays_trampoline_lowered:
0x8: {  	[smem:$0x3FAD] =	sst s0  }
0x9: {  	[smem:$0x3FAE] =	sst s1  }
0xa: {  	[smem:$0x3FAF] =	sst s2  }
0xb: {  	[smem:$0x3FB0] =	sst s3  }
0xc: {  	[smem:$0x3FB1] =	sst s4  }
0xd: {  	[smem:$0x3FB2] =	sst s5  }
0xe: {  	[smem:$0x3FB3] =	sst s6  }
0xf: {  	[smem:$0x3FB4] =	sst s7  }
0x10: {  	[smem:$0x3FB5] =	sst s8  }
0x11: {  	[smem:$0x3FB6] =	sst s9;
	s0 =	simm.s32 @!p0 $0x0  }
0x12: {  	s1 =	sld [smem:$0x3F9C];
	s0 =	simm.s32 @p0 $0x1  }
0x13: {  	[smem:$0x3FB7] =	sst s0;
	s0 =	simm.s32 @!p1 $0x0  }
0x14: {  	s2 =	sld [smem:$0x3F9B];
	s0 =	simm.s32 @p1 $0x1  }
0x15: {  	[smem:$0x3FB8] =	sst s0;
	s0 =	simm.s32 @!p2 $0x0  }
0x16: {  	s3 =	sld [smem:$0x3FDB];
	s0 =	simm.s32 @p2 $0x1  }
0x17: {  	s4 =	simm.s32 $0x1BF5;
	[smem:$0x3FBA] =	sst s0  }
0x18: {  	s0 =	sld [smem:$0x3F9D];
	_ =	swait.ge [sflag:s4], $0x0  }
0x19: {  	s7 =	sld [smem:$0x3F9E]  }
0x1a: {  	s8 =	sadd.s32 $0xFFFFE003, lr  }
0x1b: {  	s9 =	sadd.s32 $0xFFFFFEF7, lr;
	s5 =	simm.s32 $0xFFFFFFFF;
	p2 =	slt.u32 s8, $0xFFFFF086  }
0x1c: {  	p1 =	slt.u32 s9, $0xF7A;
	s5 =	simm.s32 @!p2 $0x0  }
0x1d: {  	s5 =	simm.s32 @p1 $0x1;
	p0 =	seq.s32 s7, s2  }
0x1e: {  	s7 =	smul.u32 @!p0 $0xF7A, s2;
	p2 =	seq.s32 @!p0 s5, $0x0  }
0x1f: {  	s9 =	smul.u32 $0xF7A, s1;
	s8 =	simm.s32 @!p0 $0x1BF5;
	p2 =	por !p2, p0  }
0x20: {  	[sflag:s8] =	ssyncset.s32 @!p0 $0xFFFFF086;
	s6 =	sadd.s32 @!p0 s3, s7;
	s7 =	simm.s32 @!p0 $0x108  }
0x21: {  	s3 =	sadd.s32 s3, s9;
	s6 =	sadd.s32 @!p0 $0x88, s6;
	s7 =	simm.s32 @p2 $0x1082  }
0x22: {  	[simem:s7], [sflag:s8] =	dma.local @!p0 [hbm:s6], $0xF7A  }
0x23: {  	s9 =	sor.u32 $0xD0000000, s2;
	s6 =	simm.s32 $0x108;
	_ =	swait.ge @!p0 [sflag:s8], $0x0  }
0x24: {  	s3 =	sadd.s32 $0x88, s3;
	s6 =	simm.s32 @!p1 $0x1082;
	[sflag:s4] =	ssyncset.s32 $0xFFFFF086  }
0x25: {  	[simem:s6], [sflag:s4] =	dma.local [hbm:s3], $0xF7A  }
0x26: {  	[smem:$0x3F9E] =	sst s1;
	(tag) =	ssettag s2;
	_ =	strace s9  }
0x27: {  	s1 =	sld [smem:$0x3FAE]  }
0x28: {  	s2 =	sld [smem:$0x3FAF]  }
0x29: {  	s4 =	sld [smem:$0x3FB1]  }
0x2a: {  	p0 =	seq.s32 s5, $0x0;
	s5 =	sld [smem:$0x3FB2]  }
0x2b: {  	s6 =	sld [smem:$0x3FB3]  }
0x2c: {  	s7 =	sld [smem:$0x3FB4]  }
0x2d: {  	s3 =	simm.s32 $0x108;
	s8 =	sld [smem:$0x3FB5]  }
0x2e: {  	s3 =	simm.s32 @!p0 $0x1082;
	s9 =	sld [smem:$0x3FB6]  }
0x2f: {  	lr =	sadd.s32 s0, s3;
	s0 =	sld [smem:$0x3FAD]  }
0x30: {  	s3 =	sld [smem:$0x3FB0]  }
0x31: {  	[smem:$0x3FB9] =	sst s10  }
0x32: {  	s10 =	sld [smem:$0x3FB7];
	_ =	sdelay $0x3  }
0x33: {  	p0 =	seq.s32 s10, $0x1;
	s10 =	sld [smem:$0x3FB9];
	_ =	sdelay $0x3  }
0x34: {  	[smem:$0x3FB9] =	sst s10  }
0x35: {  	s10 =	sld [smem:$0x3FB8];
	_ =	sdelay $0x3  }
0x36: {  	p1 =	seq.s32 s10, $0x1;
	s10 =	sld [smem:$0x3FB9];
	_ =	sdelay $0x3  }
0x37: {  	[smem:$0x3FB9] =	sst s10  }
0x38: {  	s10 =	sld [smem:$0x3FBA]  }
0x39: {  	_ = 	snop;
	(pc) =	sbr.ind lr, $3  }
0x3a: {  	_ = 	snop  }
0x3b: {  	_ = 	snop  }
0x3c: {  	p2 =	seq.s32 s10, $0x1;
	s10 =	sld [smem:$0x3FB9]  }
0x3d: {  	_ =	shalt  }
0x3e: {  	_ =	shalt  }
0x3f: {  	_ =	shalt  }
0x40: {  	_ =	shalt  }
0x41: {  	_ =	shalt  }
0x42: {  	_ =	shalt  }
0x43: {  	_ =	shalt  }
0x44: {  	_ =	shalt  }
0x45: {  	_ =	shalt  }
0x46: {  	_ =	shalt  }
0x47: {  	_ =	shalt  }
0x48: {  	_ =	shalt  }
0x49: {  	_ =	shalt  }
0x4a: {  	_ =	shalt  }
0x4b: {  	_ =	shalt  }
0x4c: {  	_ =	shalt  }
0x4d: {  	_ =	shalt  }
0x4e: {  	_ =	shalt  }
0x4f: {  	_ =	shalt  }
0x50: {  	_ =	shalt  }
0x51: {  	_ =	shalt  }
0x52: {  	_ =	shalt  }
0x53: {  	_ =	shalt  }
0x54: {  	_ =	shalt  }
0x55: {  	_ =	shalt  }
0x56: {  	_ =	shalt  }
0x57: {  	_ =	shalt  }
0x58: {  	_ =	shalt  }
0x59: {  	_ =	shalt  }
0x5a: {  	_ =	shalt  }
0x5b: {  	_ =	shalt  }
0x5c: {  	_ =	shalt  }
0x5d: {  	_ =	shalt  }
0x5e: {  	_ =	shalt  }
0x5f: {  	_ =	shalt  }
0x60: {  	_ =	shalt  }
0x61: {  	_ =	shalt  }
0x62: {  	_ =	shalt  }
0x63: {  	_ =	shalt  }
0x64: {  	_ =	shalt  }
0x65: {  	_ =	shalt  }
0x66: {  	_ =	shalt  }
0x67: {  	_ =	shalt  }
0x68: {  	_ =	shalt  }
0x69: {  	_ =	shalt  }
0x6a: {  	_ =	shalt  }
0x6b: {  	_ =	shalt  }
0x6c: {  	_ =	shalt  }
0x6d: {  	_ =	shalt  }
0x6e: {  	_ =	shalt  }
0x6f: {  	_ =	shalt  }
0x70: {  	_ =	shalt  }
0x71: {  	_ =	shalt  }
0x72: {  	_ =	shalt  }
0x73: {  	_ =	shalt  }
0x74: {  	_ =	shalt  }
0x75: {  	_ =	shalt  }
0x76: {  	_ =	shalt  }
0x77: {  	_ =	shalt  }
0x78: {  	_ =	shalt  }
0x79: {  	_ =	shalt  }
0x7a: {  	_ =	shalt  }
0x7b: {  	_ =	shalt  }
0x7c: {  	_ =	shalt  }
0x7d: {  	_ =	shalt  }
0x7e: {  	_ =	shalt  }
0x7f: {  	_ =	shalt  }
0x80: {  	_ =	shalt  }
0x81: {  	_ =	shalt  }
0x82: {  	_ =	shalt  }
0x83: {  	_ =	shalt  }
0x84: {  	_ =	shalt  }
0x85: {  	_ =	shalt  }
0x86: {  	_ =	shalt  }
0x87: {  	_ =	shalt  }
.Lfunc_end0:
.L_simem_size_0:
called_computation_lowered:
.L_overlay_start_0:
0x88: {  	s2 =	sld [smem:$0x3FD9]  }
0x89: {  	s3 =	sld [smem:$0x3FFE];
	_ =	sdelay $0x1  }
0x8a: {  	s1 =	srdreg.scid  }
0x8b: {  	s0 =	sand.u32 $0x1, s1  }
0x8c: {  	s14 =	sshll.u32 s0, $0xA;
	s2 =	sadd.s32 s3, s2  }
0x8d: {  	s2 =	sadd.s32 s2, s14  }
0x8e: {  	[smem:$0x3FC5] =	sst s2  }
0x8f: {  	_ = 	snop  }
0x90: {  	s2 =	sld [smem:$0x3FD0];
	_ =	sdelay $0x2  }
0x91: {  	s15 =	simm.s32 $0xA;
	s4 =	simm.s32 $0x10  }
0x92: {  	[smem:s4], [sflag:s15] =	dma.local [hbm:s2], $0x1  }
0x93: {  	_ =	swait.eq [sflag:s15], $0x1  }
0x94: {  	[sflag:s15] =	ssyncset.done $0x0  }
0x95: {  	s16 =	sld [smem:$0x10];
	[sflag:s15] =	ssyncadd.s32 $0xFFFFFFFF  }
0x96: {  	s17 =	sld [smem:$0x11];
	(tm) =	ssettm $0x1  }
0x97: {  	s18 =	sld [smem:$0x3FFB];
	_ =	sdelay $0x3  }
0x98: {  	_ =	strace s18  }
0x99: {  	s4 =	sld [smem:$0x3FFC];
	_ =	sdelay $0x3  }
0x9a: {  	_ =	strace s4  }
0x9b: {  	s4 =	sld [smem:$0x3FFD];
	_ =	sdelay $0x3  }
0x9c: {  	_ =	strace s4  }
0x9d: {  	_ =	strace $0x8FFFFFFF  }
0x9e: {  	s19 =	sld [smem:$0x3FDB];
	_ =	sdelay $0x1  }
0x9f: {  	s5 =	simm.s32 $_scs_section_size  }
0xa0: {  	s6 =	simm.s32 $_size__tile_overlayer_lowered;
	s7 =	simm.s32 $_tile_overlayer_lowered  }
0xa1: {  	s22 =	simm.s32 $0x1BFF;
	s21 =	sshll.u32 s7, $0x1;
	s4 =	sadd.s32 s5, s19  }
0xa2: {  	s8 =	simm.s32 $0x0;
	s20 =	sshll.u32 s6, $0x1;
	s6 =	sadd.s32 s21, s4  }
0xa3: {  	[timem:s8], [sflag:s22] =	dma.local [hbm:s6], s20  }
0xa4: {  	_ =	swait.ge [sflag:s22], s20  }
0xa5: {  	s5 =	ssub.s32 $0x0, s20;
	[sflag:s22] =	ssyncset.done $0x0  }
0xa6: {  	[sflag:s22] =	ssyncadd.s32 s5;
	_ =	sdelay $0x1  }
0xa7: {  	s23 =	simm.s32 $0x1B8B  }
0xa8: {  	_ =	swait.ge [sflag:s23], $0x1  }
0xa9: {  	[sflag:s23] =	ssyncset.done $0x0  }
0xaa: {  	s25 =	simm.s32 $0x1B8E;
	s24 =	sld [smem:$0x3FFE];
	[sflag:s23] =	ssyncadd.s32 $0xFFFFFFFF  }
0xab: {  	s26 =	simm.s32 $execute0_lowered;
	[smem:$0x3FD2] =	sst s25  }
0xac: {  	s6 =	sshll.u32 s26, $0x1;
	_ =	strace $0x80000046;
	[dreg:$0x1] =	wrdreg $0xFFFFFFFF  }
0xad: {  	s28 =	simm.s32 $_size_execute0_lowered;
	s4 =	sadd.s32 s4, s6;
	[dreg:$0x0] =	wrdreg $0x0  }
0xae: {  	s6 =	sshll.u32 s28, $0x1;
	[dreg:$0x2] =	wrdreg s4  }
0xaf: {  	[dreg:$0x3] =	wrdreg s6  }
0xb0: {  	[dreg:$0x4] =	wrdreg $0xC0  }
0xb1: {  	_ =	task [dreg:s8], $0x5FFFF  }
0xb2: {  	[dreg:$0x1] =	wrdreg $0xFFFFFFFF  }
0xb3: {  	[dreg:$0x0] =	wrdreg $0x60  }
0xb4: {  	[dreg:$0x2] =	wrdreg s17  }
0xb5: {  	[dreg:$0x3] =	wrdreg s24  }
0xb6: {  	[dreg:$0x4] =	wrdreg s16  }
0xb7: {  	[dreg:$0x5] =	wrdreg $0x40800  }
0xb8: {  	[dreg:$0x6] =	wrdreg $0x9  }
0xb9: {  	_ =	task.clear_ibuf [dreg:s8], $0x7FFFF;
	_ =	strace $0x90000046  }
0xba: {  	s29 =	simm.s32 $0x9;
	_ =	strace $0x80000048  }
0xbb: {  	_ =	swait.ge [sflag:s29], $0x1  }
0xbc: {  	[sflag:s29] =	ssyncadd.s32 $0xFFFFFFFF  }
0xbd: {  	_ =	strace $0x90000048  }
0xbe: {  	_ =	sfence  }
0xbf: {  	s30 =	sld [smem:$0x0];
	_ =	sdelay $0x2  }
0xc0: {  	s31 =	sshll.u32 s1, $0xD;
	s1 =	sshrl.u32 s1, $0x2  }
0xc1: {  	s3 =	sand.u32 $0x4000, s31;
	s1 =	sadd.s32 s1, s30  }
0xc2: {  	s0 =	sor.u32 s3, s0;
	s1 =	sshll.u32 s1, $0x11  }
0xc3: {  	s0 =	sor.u32 s1, s0  }
0xc4: {  	s0 =	sadd.s32 $0x8F2B, s0  }
0xc5: {  	[sflag:s0] =	ssyncadd.remote.s32 $0x1  }
0xc6: {  	_ =	sfence.sel $0xFFFF  }
0xc7: {  	[dreg:$0x0] =	wrdreg $0xFFFFFFFF;
	(pc) =	sbr.abs _section_cstart, $3  }
0xc8: {  	[dreg:$0x1] =	wrdreg $0xFFFFFFFF  }
0xc9: {  	_ =	task.clear_ibuf [dreg:s8], $0x2FFFF;
	_ =	strace $0x9FFFFFFF  }
0xca: {  	(tm) =	ssettm $0x7FFFFFFF  }
0xcb: {  	_ =	shalt  }
tec
execute0_lowered:
.L_overlay_start_1:
0x0: {  	(tag) =	ssettag $0x1  }
0x1: {  	s5 =	rddreg [dreg:$0x0]  }
0x2: {  	s4 =	rddreg [dreg:$0x1]  }
0x3: {  	s6 =	rddreg [dreg:$0x2]  }
0x4: {  	s1 =	rddreg [dreg:$0x3]  }
0x5: {  	s0 =	rddreg [dreg:$0x4];
	s2 =	simm.s32 $0x0  }
0x6: {  	s7 =	srdreg.scid;
	s8 =	stileid.u32;
	s13 =	simm.s32 $0x0  }
0x7: {  	[smem:$0x7FF] =	sst s2;
	s3 =	sadd.s32 $0x1400, s4;
	s4 =	sadd.s32 $0x1200, s4  }
0x8: {  	s7 =	sand.u32 $0x1, s7;
	s12 =	sshll.u32 s8, $0xC;
	p0 =	sne.s32 s8, $0x0  }
0x9: {  	_ =	strace $0x80000047;
	s9 =	ssub.s32 $0x2, s7;
	s10 =	sshll.u32 s7, $0xB  }
0xa: {  	s7 =	sshll.u32 s7, $0x4;
	s8 =	sshrl.u32 @!p0 s1, $0x3;
	s11 =	sshrl.u32 s9, $0x1  }
0xb: {  	s5 =	sadd.s32 s5, s10;
	s6 =	sadd.s32 s6, s7;
	s10 =	simm.s32 $0x4000  }
0xc: {  	s9 =	ssub.s32 s9, s11;
	s5 =	sadd.s32 s12, s5;
	s11 =	simm.s32 $0x80  }
0xd: {  	s12 =	simm.s32 $0x1;
	s7 =	smax.u32 s9, $0x1;
	s9 =	simm.s32 $0x2  }
.LBB2_1:
0xe: {  	s14 =	simm.s32 @!p0 $0x1C02  }
0xf: {  	[spmem:s8], [sflag:s14] =	dma.local @!p0 [hbm:s3], $0x1000  }
0x10: {  	s14 =	simm.s32 @!p0 $0x2  }
0x11: {  	_ =	swait.ge @!p0 [sflag:s14], $0x1000  }
0x12: {  	[sflag:s14] =	ssyncset.done @!p0 $0x0  }
0x13: {  	[sflag:s14] =	ssyncadd.s32 @!p0 $0xFFFFF000  }
0x14: {  	[tilespmem:s2], [sflag:$0x2] =	stream.linear.gather [hbm4b:s5+s2], $0x4000, $0x38;
	[tilespmem:$0x4880] =	vst v63  }
0x15: {  	_ =	swait.ge [sflag:s9], $0x4000  }
0x16: {  	[sflag:s9] =	ssyncset.done $0x0  }
0x17: {  	[sflag:s9] =	ssyncadd.s32 $0xFFFFC000  }
0x18: {  	[tilespmem:s10], [sflag:$0x2] =	stream.linear.gather [hbm4b:s4+s2], $0x80, $0x38;
	[tilespmem:$0x4880] =	vst v63  }
0x19: {  	_ =	swait.ge [sflag:s9], $0x80  }
0x1a: {  	[sflag:s9] =	ssyncset.done $0x0  }
0x1b: {  	p1 =	por $0x1, $0x1;
	[sflag:s9] =	ssyncadd.s32 $0xFFFFFF80  }
0x1c: {  	s16 =	simm.s32 @!p1 $0x1;
	[bflag:$0x0] =	sbarrier.arrive $0xFFFF  }
0x1d: {  	[spmem:s1] =	stream.indirect.scatter.add.s32 [tilespmem:s10], [sflag:$0x1], $0x1, s2, s11, $0xb8;
	[tilespmem:$0x4880] =	vst v63  }
0x1e: {  	_ =	swait.ge @!p1 [sflag:s16], $0x80  }
0x1f: {  	s15 =	simm.s32 $0x0;
	s14 =	simm.s32 $0x1;
	[sflag:s16] =	ssyncset.done @!p1 $0x0  }
.LBB2_2:
0x20: {  	[sflag:s16] =	ssyncadd.s32 @!p1 $0xFFFFFF80  }
0x21: {  	s15 =	sadd.s32 $0x80, s15;
	s16 =	smov.u32 s14;
	s14 =	sadd.s32 $0x1, s14  }
0x22: {  	p2 =	sne.s32 s14, $0x80  }
0x23: {  	[spmem:s1] =	stream.indirect.scatter.add.s32 [tilespmem:s10], [sflag:$0x1], $0x1, s15, s11, $0xb8;
	[tilespmem:$0x4880] =	vst v63  }
.Ltmp0:
0x24: {  	_ = 	snop;
	(pc) =	sbr.rel @p2 .LBB2_2-.Ltmp0, $4  }
0x25: {  	p1 =	slt.u32 s16, $0x10  }
0x26: {  	s16 =	simm.s32 @!p1 $0x1  }
0x27: {  	_ =	swait.ge @!p1 [sflag:s16], $0x80  }
0x28: {  	[sflag:s16] =	ssyncset.done @!p1 $0x0  }
0x29: {  	[sflag:s16] =	ssyncadd.s32 @!p1 $0xFFFFFF80  }
0x2a: {  	_ =	swait.ge [sflag:s12], $0x80  }
0x2b: {  	[sflag:s12] =	ssyncset.done $0x0  }
0x2c: {  	[sflag:s12] =	ssyncadd.s32 $0xFFFFFF80  }
0x2d: {  	_ =	swait.ge [sflag:s12], $0x80  }
0x2e: {  	[sflag:s12] =	ssyncset.done $0x0  }
0x2f: {  	[sflag:s12] =	ssyncadd.s32 $0xFFFFFF80  }
0x30: {  	_ =	swait.ge [sflag:s12], $0x80  }
0x31: {  	[sflag:s12] =	ssyncset.done $0x0  }
0x32: {  	[sflag:s12] =	ssyncadd.s32 $0xFFFFFF80  }
0x33: {  	_ =	swait.ge [sflag:s12], $0x80  }
0x34: {  	[sflag:s12] =	ssyncset.done $0x0  }
0x35: {  	[sflag:s12] =	ssyncadd.s32 $0xFFFFFF80  }
0x36: {  	_ =	swait.ge [sflag:s12], $0x80  }
0x37: {  	[sflag:s12] =	ssyncset.done $0x0  }
0x38: {  	[sflag:s12] =	ssyncadd.s32 $0xFFFFFF80  }
0x39: {  	_ =	swait.ge [sflag:s12], $0x80  }
0x3a: {  	[sflag:s12] =	ssyncset.done $0x0  }
0x3b: {  	[sflag:s12] =	ssyncadd.s32 $0xFFFFFF80  }
0x3c: {  	_ =	swait.ge [sflag:s12], $0x80  }
0x3d: {  	[sflag:s12] =	ssyncset.done $0x0  }
0x3e: {  	[sflag:s12] =	ssyncadd.s32 $0xFFFFFF80  }
0x3f: {  	_ =	swait.ge [sflag:s12], $0x80  }
0x40: {  	[sflag:s12] =	ssyncset.done $0x0  }
0x41: {  	[sflag:s12] =	ssyncadd.s32 $0xFFFFFF80  }
0x42: {  	_ =	swait.ge [sflag:s12], $0x80  }
0x43: {  	[sflag:s12] =	ssyncset.done $0x0  }
0x44: {  	[sflag:s12] =	ssyncadd.s32 $0xFFFFFF80  }
0x45: {  	_ =	swait.ge [sflag:s12], $0x80  }
0x46: {  	[sflag:s12] =	ssyncset.done $0x0  }
0x47: {  	[sflag:s12] =	ssyncadd.s32 $0xFFFFFF80  }
0x48: {  	_ =	swait.ge [sflag:s12], $0x80  }
0x49: {  	[sflag:s12] =	ssyncset.done $0x0  }
0x4a: {  	[sflag:s12] =	ssyncadd.s32 $0xFFFFFF80  }
0x4b: {  	_ =	swait.ge [sflag:s12], $0x80  }
0x4c: {  	[sflag:s12] =	ssyncset.done $0x0  }
0x4d: {  	[sflag:s12] =	ssyncadd.s32 $0xFFFFFF80  }
0x4e: {  	_ =	swait.ge [sflag:s12], $0x80  }
0x4f: {  	[sflag:s12] =	ssyncset.done $0x0  }
0x50: {  	[sflag:s12] =	ssyncadd.s32 $0xFFFFFF80  }
0x51: {  	_ =	swait.ge [sflag:s12], $0x80  }
0x52: {  	[sflag:s12] =	ssyncset.done $0x0  }
0x53: {  	[sflag:s12] =	ssyncadd.s32 $0xFFFFFF80  }
0x54: {  	_ =	swait.ge [sflag:s12], $0x80  }
0x55: {  	[sflag:s12] =	ssyncset.done $0x0  }
0x56: {  	[sflag:s12] =	ssyncadd.s32 $0xFFFFFF80  }
0x57: {  	_ =	swait.ge [sflag:s12], $0x80  }
0x58: {  	s14 =	simm.s32 @!p0 $0x1;
	s15 =	simm.s32 @!p0 $0x20;
	[sflag:s12] =	ssyncset.done $0x0  }
0x59: {  	s16 =	simm.s32 @!p0 $0x10;
	s13 =	sadd.s32 $0x1, s13;
	[sflag:s12] =	ssyncadd.s32 $0xFFFFFF80  }
0x5a: {  	s17 =	simm.s32 @!p0 $0x1C02;
	p1 =	sne.s32 s13, s7;
	[bflag:$0x0] =	sbarrier.arrive $0xFFFF  }
0x5b: {  	[hbm:s6@s15], [sflag:s17] =	dma.strided @!p0 [spmem:s8@s16], $0x1000, s14, $0x10   }
.Ltmp1:
0x5c: {  	_ = 	snop;
	(pc) =	sbr.rel @p1 .LBB2_1-.Ltmp1, $4  }
0x5d: {  	s14 =	simm.s32 @!p0 $0x2  }
0x5e: {  	_ =	swait.ge @!p0 [sflag:s14], $0x1000  }
0x5f: {  	[sflag:s14] =	ssyncset.done @!p0 $0x0  }
0x60: {  	[sflag:s14] =	ssyncadd.s32 @!p0 $0xFFFFF000  }
0x61: {  	_ =	sfence.sel $0x180000  }
0x62: {  	[bflag:$0x0] =	sbarrier.arrive $0xFFFF  }
0x63: {  	_ =	strace $0x90000047  }
0x64: {  	s0 =	sadd.s32 @!p0 $0x100000, s0;
	[bflag:$0x2] =	sbarrier.arrive $0xFFFF  }
0x65: {  	[sflag:s0] =	ssyncadd.tile.s32 @!p0 $0x1;
	_ =	shalt  }
.Lfunc_end2:
_tile_overlayer_lowered:
.L_overlay_start_2:
0x66: {  	(tag) =	ssettag $0x2  }
0x67: {  	s0 =	rddreg [dreg:$0x0];
	s2 =	stileid.u32  }
0x68: {  	s1 =	rddreg [dreg:$0x1];
	p0 =	sne.s32 s2, $0x0  }
0x69: {  	s3 =	rddreg [dreg:$0x2];
	[bflag:$0x3] =	sbarrier.arrive $0xFFFF;
	s2 =	simm.s32 @!p0 $0x1C02  }
0x6a: {  	[timem:s3], [sflag:s2] =	dma.local @!p0 [hbm:s0], s1  }
0x6b: {  	s0 =	simm.s32 @!p0 $0x2  }
0x6c: {  	_ =	swait.ge @!p0 [sflag:s0], s1  }
0x6d: {  	s1 =	ssub.s32 @!p0 $0x0, s1;
	[sflag:s0] =	ssyncset.done @!p0 $0x0  }
0x6e: {  	[sflag:s0] =	ssyncadd.s32 @!p0 s1  }
0x6f: {  	[bflag:$0x3] =	sbarrier.arrive $0xFFFF  }
0x70: {  	_ =	shalt  }

// kernel: kernel.9.cloned.1.call-start
scs
__scs_entry_jumppad:
0x0: {  	(pc) =	sbr.rel $0x88, $3  }
0x1: {  	(tag) =	ssettag $0x0;
	lr =	simm.s32 $0x1  }
0x2: {  	[smem:$0x3F9E] =	sst lr;
	_ =	strace $0xD0000000  }
0x3: {  	_ = 	snop  }
0x4: {  	_ = 	snop  }
0x5: {  	_ = 	snop  }
0x6: {  	_ = 	snop  }
0x7: {  	_ = 	snop  }
__scs_overlays_trampoline_lowered:
0x8: {  	[smem:$0x3FAD] =	sst s0  }
0x9: {  	[smem:$0x3FAE] =	sst s1  }
0xa: {  	[smem:$0x3FAF] =	sst s2  }
0xb: {  	[smem:$0x3FB0] =	sst s3  }
0xc: {  	[smem:$0x3FB1] =	sst s4  }
0xd: {  	[smem:$0x3FB2] =	sst s5  }
0xe: {  	[smem:$0x3FB3] =	sst s6  }
0xf: {  	[smem:$0x3FB4] =	sst s7  }
0x10: {  	[smem:$0x3FB5] =	sst s8  }
0x11: {  	[smem:$0x3FB6] =	sst s9;
	s0 =	simm.s32 @!p0 $0x0  }
0x12: {  	s1 =	sld [smem:$0x3F9C];
	s0 =	simm.s32 @p0 $0x1  }
0x13: {  	[smem:$0x3FB7] =	sst s0;
	s0 =	simm.s32 @!p1 $0x0  }
0x14: {  	s2 =	sld [smem:$0x3F9B];
	s0 =	simm.s32 @p1 $0x1  }
0x15: {  	[smem:$0x3FB8] =	sst s0;
	s0 =	simm.s32 @!p2 $0x0  }
0x16: {  	s3 =	sld [smem:$0x3FDB];
	s0 =	simm.s32 @p2 $0x1  }
0x17: {  	s4 =	simm.s32 $0x1BF5;
	[smem:$0x3FBA] =	sst s0  }
0x18: {  	s0 =	sld [smem:$0x3F9D];
	_ =	swait.ge [sflag:s4], $0x0  }
0x19: {  	s7 =	sld [smem:$0x3F9E]  }
0x1a: {  	s8 =	sadd.s32 $0xFFFFE003, lr  }
0x1b: {  	s9 =	sadd.s32 $0xFFFFFEF7, lr;
	s5 =	simm.s32 $0xFFFFFFFF;
	p2 =	slt.u32 s8, $0xFFFFF086  }
0x1c: {  	p1 =	slt.u32 s9, $0xF7A;
	s5 =	simm.s32 @!p2 $0x0  }
0x1d: {  	s5 =	simm.s32 @p1 $0x1;
	p0 =	seq.s32 s7, s2  }
0x1e: {  	s7 =	smul.u32 @!p0 $0xF7A, s2;
	p2 =	seq.s32 @!p0 s5, $0x0  }
0x1f: {  	s9 =	smul.u32 $0xF7A, s1;
	s8 =	simm.s32 @!p0 $0x1BF5;
	p2 =	por !p2, p0  }
0x20: {  	[sflag:s8] =	ssyncset.s32 @!p0 $0xFFFFF086;
	s6 =	sadd.s32 @!p0 s3, s7;
	s7 =	simm.s32 @!p0 $0x108  }
0x21: {  	s3 =	sadd.s32 s3, s9;
	s6 =	sadd.s32 @!p0 $0x88, s6;
	s7 =	simm.s32 @p2 $0x1082  }
0x22: {  	[simem:s7], [sflag:s8] =	dma.local @!p0 [hbm:s6], $0xF7A  }
0x23: {  	s9 =	sor.u32 $0xD0000000, s2;
	s6 =	simm.s32 $0x108;
	_ =	swait.ge @!p0 [sflag:s8], $0x0  }
0x24: {  	s3 =	sadd.s32 $0x88, s3;
	s6 =	simm.s32 @!p1 $0x1082;
	[sflag:s4] =	ssyncset.s32 $0xFFFFF086  }
0x25: {  	[simem:s6], [sflag:s4] =	dma.local [hbm:s3], $0xF7A  }
0x26: {  	[smem:$0x3F9E] =	sst s1;
	(tag) =	ssettag s2;
	_ =	strace s9  }
0x27: {  	s1 =	sld [smem:$0x3FAE]  }
0x28: {  	s2 =	sld [smem:$0x3FAF]  }
0x29: {  	s4 =	sld [smem:$0x3FB1]  }
0x2a: {  	p0 =	seq.s32 s5, $0x0;
	s5 =	sld [smem:$0x3FB2]  }
0x2b: {  	s6 =	sld [smem:$0x3FB3]  }
0x2c: {  	s7 =	sld [smem:$0x3FB4]  }
0x2d: {  	s3 =	simm.s32 $0x108;
	s8 =	sld [smem:$0x3FB5]  }
0x2e: {  	s3 =	simm.s32 @!p0 $0x1082;
	s9 =	sld [smem:$0x3FB6]  }
0x2f: {  	lr =	sadd.s32 s0, s3;
	s0 =	sld [smem:$0x3FAD]  }
0x30: {  	s3 =	sld [smem:$0x3FB0]  }
0x31: {  	[smem:$0x3FB9] =	sst s10  }
0x32: {  	s10 =	sld [smem:$0x3FB7];
	_ =	sdelay $0x3  }
0x33: {  	p0 =	seq.s32 s10, $0x1;
	s10 =	sld [smem:$0x3FB9];
	_ =	sdelay $0x3  }
0x34: {  	[smem:$0x3FB9] =	sst s10  }
0x35: {  	s10 =	sld [smem:$0x3FB8];
	_ =	sdelay $0x3  }
0x36: {  	p1 =	seq.s32 s10, $0x1;
	s10 =	sld [smem:$0x3FB9];
	_ =	sdelay $0x3  }
0x37: {  	[smem:$0x3FB9] =	sst s10  }
0x38: {  	s10 =	sld [smem:$0x3FBA]  }
0x39: {  	_ = 	snop;
	(pc) =	sbr.ind lr, $3  }
0x3a: {  	_ = 	snop  }
0x3b: {  	_ = 	snop  }
0x3c: {  	p2 =	seq.s32 s10, $0x1;
	s10 =	sld [smem:$0x3FB9]  }
0x3d: {  	_ =	shalt  }
0x3e: {  	_ =	shalt  }
0x3f: {  	_ =	shalt  }
0x40: {  	_ =	shalt  }
0x41: {  	_ =	shalt  }
0x42: {  	_ =	shalt  }
0x43: {  	_ =	shalt  }
0x44: {  	_ =	shalt  }
0x45: {  	_ =	shalt  }
0x46: {  	_ =	shalt  }
0x47: {  	_ =	shalt  }
0x48: {  	_ =	shalt  }
0x49: {  	_ =	shalt  }
0x4a: {  	_ =	shalt  }
0x4b: {  	_ =	shalt  }
0x4c: {  	_ =	shalt  }
0x4d: {  	_ =	shalt  }
0x4e: {  	_ =	shalt  }
0x4f: {  	_ =	shalt  }
0x50: {  	_ =	shalt  }
0x51: {  	_ =	shalt  }
0x52: {  	_ =	shalt  }
0x53: {  	_ =	shalt  }
0x54: {  	_ =	shalt  }
0x55: {  	_ =	shalt  }
0x56: {  	_ =	shalt  }
0x57: {  	_ =	shalt  }
0x58: {  	_ =	shalt  }
0x59: {  	_ =	shalt  }
0x5a: {  	_ =	shalt  }
0x5b: {  	_ =	shalt  }
0x5c: {  	_ =	shalt  }
0x5d: {  	_ =	shalt  }
0x5e: {  	_ =	shalt  }
0x5f: {  	_ =	shalt  }
0x60: {  	_ =	shalt  }
0x61: {  	_ =	shalt  }
0x62: {  	_ =	shalt  }
0x63: {  	_ =	shalt  }
0x64: {  	_ =	shalt  }
0x65: {  	_ =	shalt  }
0x66: {  	_ =	shalt  }
0x67: {  	_ =	shalt  }
0x68: {  	_ =	shalt  }
0x69: {  	_ =	shalt  }
0x6a: {  	_ =	shalt  }
0x6b: {  	_ =	shalt  }
0x6c: {  	_ =	shalt  }
0x6d: {  	_ =	shalt  }
0x6e: {  	_ =	shalt  }
0x6f: {  	_ =	shalt  }
0x70: {  	_ =	shalt  }
0x71: {  	_ =	shalt  }
0x72: {  	_ =	shalt  }
0x73: {  	_ =	shalt  }
0x74: {  	_ =	shalt  }
0x75: {  	_ =	shalt  }
0x76: {  	_ =	shalt  }
0x77: {  	_ =	shalt  }
0x78: {  	_ =	shalt  }
0x79: {  	_ =	shalt  }
0x7a: {  	_ =	shalt  }
0x7b: {  	_ =	shalt  }
0x7c: {  	_ =	shalt  }
0x7d: {  	_ =	shalt  }
0x7e: {  	_ =	shalt  }
0x7f: {  	_ =	shalt  }
0x80: {  	_ =	shalt  }
0x81: {  	_ =	shalt  }
0x82: {  	_ =	shalt  }
0x83: {  	_ =	shalt  }
0x84: {  	_ =	shalt  }
0x85: {  	_ =	shalt  }
0x86: {  	_ =	shalt  }
0x87: {  	_ =	shalt  }
.Lfunc_end0:
.L_simem_size_0:
called_computation.1_lowered:
.L_overlay_start_0:
0x88: {  	s2 =	sld [smem:$0x3FD9]  }
0x89: {  	s3 =	sld [smem:$0x3FFE];
	_ =	sdelay $0x1  }
0x8a: {  	s1 =	srdreg.scid  }
0x8b: {  	s0 =	sand.u32 $0x1, s1  }
0x8c: {  	s14 =	sshll.u32 s0, $0xA;
	s2 =	sadd.s32 s3, s2  }
0x8d: {  	s2 =	sadd.s32 s2, s14  }
0x8e: {  	[smem:$0x3FC5] =	sst s2  }
0x8f: {  	_ = 	snop  }
0x90: {  	s2 =	sld [smem:$0x3FD0];
	_ =	sdelay $0x2  }
0x91: {  	s15 =	simm.s32 $0xA;
	s4 =	simm.s32 $0x10  }
0x92: {  	[smem:s4], [sflag:s15] =	dma.local [hbm:s2], $0x1  }
0x93: {  	_ =	swait.eq [sflag:s15], $0x1  }
0x94: {  	s16 =	sld [smem:$0x10];
	[sflag:s15] =	ssyncset.done $0x0  }
0x95: {  	s17 =	sld [smem:$0x11];
	[sflag:s15] =	ssyncadd.s32 $0xFFFFFFFF  }
0x96: {  	s18 =	sld [smem:$0x12];
	(tm) =	ssettm $0x1  }
0x97: {  	s5 =	sld [smem:$0x3FFB];
	_ =	sdelay $0x3  }
0x98: {  	_ =	strace s5  }
0x99: {  	s5 =	sld [smem:$0x3FFC];
	_ =	sdelay $0x3  }
0x9a: {  	_ =	strace s5  }
0x9b: {  	s5 =	sld [smem:$0x3FFD];
	_ =	sdelay $0x3  }
0x9c: {  	_ =	strace s5  }
0x9d: {  	_ =	strace $0x8FFFFFFF  }
0x9e: {  	s19 =	sld [smem:$0x3FDB];
	_ =	sdelay $0x1  }
0x9f: {  	s6 =	simm.s32 $_scs_section_size  }
0xa0: {  	s7 =	simm.s32 $_size__tile_overlayer_lowered;
	s8 =	simm.s32 $_tile_overlayer_lowered  }
0xa1: {  	s22 =	simm.s32 $0x1BFF;
	s21 =	sshll.u32 s8, $0x1;
	s5 =	sadd.s32 s6, s19  }
0xa2: {  	s9 =	simm.s32 $0x0;
	s20 =	sshll.u32 s7, $0x1;
	s7 =	sadd.s32 s21, s5  }
0xa3: {  	[timem:s9], [sflag:s22] =	dma.local [hbm:s7], s20  }
0xa4: {  	_ =	swait.ge [sflag:s22], s20  }
0xa5: {  	s6 =	ssub.s32 $0x0, s20;
	[sflag:s22] =	ssyncset.done $0x0  }
0xa6: {  	[sflag:s22] =	ssyncadd.s32 s6;
	_ =	sdelay $0x1  }
0xa7: {  	s23 =	simm.s32 $0x1B8B  }
0xa8: {  	_ =	swait.ge [sflag:s23], $0x1  }
0xa9: {  	[sflag:s23] =	ssyncset.done $0x0  }
0xaa: {  	s25 =	simm.s32 $0x1B8E;
	s24 =	sld [smem:$0x3FFE];
	[sflag:s23] =	ssyncadd.s32 $0xFFFFFFFF  }
0xab: {  	s26 =	simm.s32 $execute0_lowered;
	[smem:$0x3FD2] =	sst s25  }
0xac: {  	s7 =	sshll.u32 s26, $0x1;
	_ =	strace $0x80000049;
	[dreg:$0x1] =	wrdreg $0xFFFFFFFF  }
0xad: {  	s28 =	simm.s32 $_size_execute0_lowered;
	s5 =	sadd.s32 s5, s7;
	[dreg:$0x0] =	wrdreg $0x0  }
0xae: {  	s7 =	sshll.u32 s28, $0x1;
	[dreg:$0x2] =	wrdreg s5  }
0xaf: {  	[dreg:$0x3] =	wrdreg s7  }
0xb0: {  	[dreg:$0x4] =	wrdreg $0xC0  }
0xb1: {  	_ =	task [dreg:s9], $0x5FFFF  }
0xb2: {  	[dreg:$0x1] =	wrdreg $0xFFFFFFFF  }
0xb3: {  	[dreg:$0x0] =	wrdreg $0x60  }
0xb4: {  	[dreg:$0x2] =	wrdreg s24  }
0xb5: {  	[dreg:$0x3] =	wrdreg s18  }
0xb6: {  	[dreg:$0x4] =	wrdreg s17  }
0xb7: {  	[dreg:$0x5] =	wrdreg s16  }
0xb8: {  	[dreg:$0x6] =	wrdreg $0x9  }
0xb9: {  	_ =	task.clear_ibuf [dreg:s9], $0x7FFFF;
	_ =	strace $0x90000049  }
0xba: {  	s29 =	simm.s32 $0x9;
	_ =	strace $0x8000004B  }
0xbb: {  	_ =	swait.ge [sflag:s29], $0x1  }
0xbc: {  	[sflag:s29] =	ssyncadd.s32 $0xFFFFFFFF  }
0xbd: {  	_ =	strace $0x9000004B  }
0xbe: {  	_ =	sfence  }
0xbf: {  	s30 =	sld [smem:$0x0];
	_ =	sdelay $0x2  }
0xc0: {  	s31 =	sshll.u32 s1, $0xD;
	s1 =	sshrl.u32 s1, $0x2  }
0xc1: {  	s3 =	sand.u32 $0x4000, s31;
	s1 =	sadd.s32 s1, s30  }
0xc2: {  	s0 =	sor.u32 s3, s0;
	s1 =	sshll.u32 s1, $0x11  }
0xc3: {  	s0 =	sor.u32 s1, s0  }
0xc4: {  	s0 =	sadd.s32 $0x8F2B, s0  }
0xc5: {  	[sflag:s0] =	ssyncadd.remote.s32 $0x1  }
0xc6: {  	_ =	sfence.sel $0xFFFF  }
0xc7: {  	[dreg:$0x0] =	wrdreg $0xFFFFFFFF;
	(pc) =	sbr.abs _section_cstart, $3  }
0xc8: {  	[dreg:$0x1] =	wrdreg $0xFFFFFFFF  }
0xc9: {  	_ =	task.clear_ibuf [dreg:s9], $0x2FFFF;
	_ =	strace $0x9FFFFFFF  }
0xca: {  	(tm) =	ssettm $0x7FFFFFFF  }
0xcb: {  	_ =	shalt  }
tec
execute0_lowered:
.L_overlay_start_1:
0x0: {  	(tag) =	ssettag $0x1  }
0x1: {  	s3 =	rddreg [dreg:$0x0]  }
0x2: {  	s4 =	rddreg [dreg:$0x1]  }
0x3: {  	s5 =	rddreg [dreg:$0x2]  }
0x4: {  	s6 =	rddreg [dreg:$0x3]  }
0x5: {  	s0 =	rddreg [dreg:$0x4];
	s2 =	simm.s32 $0x0;
	s7 =	srdreg.scid  }
0x6: {  	s1 =	stileid.u32;
	s12 =	simm.s32 $0xA080;
	s13 =	simm.s32 $0x2  }
0x7: {  	s14 =	simm.s32 $0xC080;
	s15 =	simm.s32 $0x0;
	[smem:$0x7FF] =	sst s2  }
0x8: {  	s7 =	sand.u32 $0x1, s7;
	s9 =	sshll.u32 s1, $0x5;
	s10 =	sshll.u32 s1, $0xB  }
0x9: {  	s3 =	sadd.s32 $0x1200, s3;
	_ =	strace $0x8000004A;
	s8 =	ssub.s32 $0x2, s7  }
0xa: {  	s7 =	sshll.u32 s7, $0x4;
	s9 =	sand.u32 $0x60, s9;
	s10 =	sand.u32 $0x6000, s10  }
0xb: {  	s11 =	sshrl.u32 s8, $0x1;
	s7 =	sor.u32 s7, s9;
	s9 =	simm.s32 $0x400  }
0xc: {  	s8 =	ssub.s32 s8, s11;
	s7 =	sor.u32 s10, s7;
	s10 =	simm.s32 $0x8080  }
0xd: {  	s11 =	simm.s32 $0x1;
	s4 =	sadd.s32 s4, s7;
	s5 =	sadd.s32 s5, s7  }
0xe: {  	s6 =	sadd.s32 s6, s7;
	s7 =	smax.u32 s8, $0x1;
	s8 =	simm.s32 $0x80  }
.LBB2_1:
0xf: {  	[tilespmem:s2], [sflag:$0x1] =	stream.linear.gather [hbm4b:s3+s2], $0x8080, $0x38;
	[tilespmem:$0xE080] =	vst v63  }
0x10: {  	_ = 	snop  }
0x11: {  	[tilespmem:s10], [sflag:$0x1] =	stream.strided.gather [hbm4b:s4+s8], $0x2000, s9, s8, $0x38;
	[tilespmem:$0xE080] =	vst v63  }
0x12: {  	_ =	swait.ge [sflag:s11], $0x8080  }
0x13: {  	[sflag:s11] =	ssyncset.done $0x0  }
0x14: {  	[sflag:s11] =	ssyncadd.s32 $0xFFFF7F80  }
0x15: {  	_ =	swait.ge [sflag:s11], $0x2000  }
0x16: {  	[sflag:s11] =	ssyncset.done $0x0  }
0x17: {  	s17 =	simm.s32 $0x0;
	[sflag:s11] =	ssyncadd.s32 $0xFFFFE000  }
0x18: {  	v0 =	vld [tilespmem:s17+$0x8080];
	_ =	sdelay $0x4  }
0x19: {  	vm0 =	vgt.s32 v0, $0x0  }
0x1a: {  	v0 =	vnsel vm0, $0x0, v0  }
0x1b: {  	s16 =	simm.s32 $0x10;
	v0 =	vmin.u32 v0, $0x8000  }
0x1c: {  	v1 =	vld [tilespmem:s16+$0x8080];
	v2 =	vadd.s32 $0x1, v0;
	_ =	sdelay $0x3  }
0x1d: {  	v0 =	vld.idx.msk [tilespmem:v0+s2+$0x0], $0xffff  }
0x1e: {  	vm15 =	vgt.s32 v1, $0x0;
	v2 =	vld.idx.msk [tilespmem:v2+s2+$0x0], $0xffff  }
0x1f: {  	v1 =	vnsel vm15, $0x0, v1  }
0x20: {  	v1 =	vmin.u32 v1, $0x8000  }
0x21: {  	s18 =	simm.s32 $0x20;
	s19 =	simm.s32 $0xC0;
	v3 =	vadd.s32 $0x1, v1  }
.LBB2_2:
0x22: {  	p0 =	sne.s32 s19, $0x7FC0;
	v4 =	vld [tilespmem:s18+$0x8080];
	[tilespmem:s17+$0xA080] =	vst v0  }
0x23: {  	v0 =	vsub.s32 v2, v0  }
0x24: {  	[tilespmem:s17+$0xC080] =	vst v0;
	s17 =	smov.u32 s16;
	s16 =	smov.u32 s18  }
0x25: {  	v0 =	vld.idx.msk [tilespmem:v1+s2+$0x0], $0xffff  }
.Ltmp0:
0x26: {  	v2 =	vld.idx.msk [tilespmem:v3+s2+$0x0], $0xffff;
	(pc) =	sbr.rel @p0 .LBB2_2-.Ltmp0, $4  }
0x27: {  	vm0 =	vgt.s32 v4, $0x0  }
0x28: {  	v1 =	vnsel vm0, $0x0, v4  }
0x29: {  	v1 =	vmin.u32 v1, $0x8000  }
0x2a: {  	s18 =	sshra.s32 s19, $0x2;
	s19 =	sadd.s32 $0x40, s19;
	v3 =	vadd.s32 $0x1, v1  }
0x2b: {  	v4 =	vld [tilespmem:s18+$0x8080];
	_ =	sdelay $0x1  }
0x2c: {  	[tilespmem:s17+$0xA080] =	vst v0;
	v59 =	vsub.s32 v2, v0  }
0x2d: {  	[tilespmem:s17+$0xC080] =	vst v59  }
0x2e: {  	v0 =	vld.idx.msk [tilespmem:v1+s2+$0x0], $0xffff  }
0x2f: {  	v60 =	vld.idx.msk [tilespmem:v3+s2+$0x0], $0xffff;
	vm0 =	vgt.s32 v4, $0x0  }
0x30: {  	v61 =	vnsel vm0, $0x0, v4  }
0x31: {  	v2 =	vmin.u32 v61, $0x8000  }
0x32: {  	v62 =	vadd.s32 $0x1, v2;
	_ =	sdelay $0x1  }
0x33: {  	[tilespmem:s16+$0xA080] =	vst v0;
	v0 =	vsub.s32 v60, v0  }
0x34: {  	[tilespmem:s16+$0xC080] =	vst v0  }
0x35: {  	v0 =	vld.idx.msk [tilespmem:v2+s2+$0x0], $0xffff  }
0x36: {  	v63 =	vld.idx.msk [tilespmem:v62+s2+$0x0], $0xffff;
	_ =	sdelay $0x4  }
0x37: {  	[tilespmem:s18+$0xA080] =	vst v0;
	v0 =	vsub.s32 v63, v0  }
0x38: {  	[tilespmem:s18+$0xC080] =	vst v0  }
0x39: {  	[hbm4b:s5+s8] =	stream.strided.scatter [tilespmem:s12], [sflag:$0x2], $0x2000, s9, s8, $0x38;
	[tilespmem:$0xE080] =	vst v63  }
0x3a: {  	s15 =	sadd.s32 $0x1, s15;
	_ =	swait.ge [sflag:s13], $0x2000  }
0x3b: {  	p0 =	sne.s32 s15, s7;
	[sflag:s13] =	ssyncset.done $0x0  }
.Ltmp1:
0x3c: {  	[sflag:s13] =	ssyncadd.s32 $0xFFFFE000;
	(pc) =	sbr.rel @p0 .LBB2_1-.Ltmp1, $4  }
0x3d: {  	[hbm4b:s6+s8] =	stream.strided.scatter [tilespmem:s14], [sflag:$0x2], $0x2000, s9, s8, $0x38;
	[tilespmem:$0xE080] =	vst v63  }
0x3e: {  	_ =	swait.ge [sflag:s13], $0x2000  }
0x3f: {  	[sflag:s13] =	ssyncset.done $0x0  }
0x40: {  	[sflag:s13] =	ssyncadd.s32 $0xFFFFE000  }
0x41: {  	_ =	sfence.sel $0x180000  }
0x42: {  	[bflag:$0x0] =	sbarrier.arrive $0xFFFF  }
0x43: {  	p0 =	sne.s32 s1, $0x0;
	_ =	strace $0x9000004A  }
0x44: {  	s0 =	sadd.s32 @!p0 $0x100000, s0;
	[bflag:$0x2] =	sbarrier.arrive $0xFFFF  }
0x45: {  	[sflag:s0] =	ssyncadd.tile.s32 @!p0 $0x1;
	_ =	shalt  }
.Lfunc_end2:
_tile_overlayer_lowered:
.L_overlay_start_2:
0x46: {  	(tag) =	ssettag $0x2  }
0x47: {  	s0 =	rddreg [dreg:$0x0];
	s2 =	stileid.u32  }
0x48: {  	s1 =	rddreg [dreg:$0x1];
	p0 =	sne.s32 s2, $0x0  }
0x49: {  	s3 =	rddreg [dreg:$0x2];
	[bflag:$0x3] =	sbarrier.arrive $0xFFFF;
	s2 =	simm.s32 @!p0 $0x1C02  }
0x4a: {  	[timem:s3], [sflag:s2] =	dma.local @!p0 [hbm:s0], s1  }
0x4b: {  	s0 =	simm.s32 @!p0 $0x2  }
0x4c: {  	_ =	swait.ge @!p0 [sflag:s0], s1  }
0x4d: {  	s1 =	ssub.s32 @!p0 $0x0, s1;
	[sflag:s0] =	ssyncset.done @!p0 $0x0  }
0x4e: {  	[sflag:s0] =	ssyncadd.s32 @!p0 s1  }
0x4f: {  	[bflag:$0x3] =	sbarrier.arrive $0xFFFF  }
0x50: {  	_ =	shalt  }

</sc_bundles>
